<compile_context>
chip_gen: v7x
topology: tpu7x:2x2x1
jax: 0.10.2.dev20260603
libtpu: 0.0.44.dev20260713+nightly
codegen_flags: <defaults>
</compile_context>

<pallas_src>
import functools

import jax
import jax.numpy as jnp
from jax import lax
from jax.experimental import pallas as pl
from jax.experimental.pallas import tpu as pltpu
from jax.experimental.pallas import tpu_sc as plsc

NC = 2
NS = 16
NW = NC * NS
LANES = 16
CHUNK = 128

_PARAMS = pltpu.CompilerParams(needs_layout_passes=False,
                               use_tc_tiling_on_sc=False)


def kernel(user, pos_item, neg_item, comment_tensor,
           user_embed_w, item_embed_w, text_embed_w):
    B = user.shape[0]
    Lw = comment_tensor.shape[1]
    D = user_embed_w.shape[1]
    bpw = B // NW
    nch = bpw // CHUNK
    ngr = bpw // LANES

    uidx = user.astype(jnp.int32).reshape(NW, nch, CHUNK)
    pidx = pos_item.astype(jnp.int32).reshape(NW, nch, CHUNK)
    nidx = neg_item.astype(jnp.int32).reshape(NW, nch, CHUNK)
    cidx = comment_tensor.T.astype(jnp.int32).reshape(Lw, NW, nch, CHUNK)

    mesh = plsc.VectorSubcoreMesh(core_axis_name="c", subcore_axis_name="s")

    @functools.partial(
        pl.kernel,
        out_type=(jax.ShapeDtypeStruct((B, D), jnp.float32),
                  jax.ShapeDtypeStruct((B,), jnp.float32)),
        mesh=mesh,
        compiler_params=_PARAMS,
        scratch_types=[
            pltpu.VMEM((nch, CHUNK), jnp.int32),
            pltpu.VMEM((Lw, nch, CHUNK), jnp.int32),
            pltpu.VMEM((bpw, D), jnp.float32),
            pltpu.VMEM((bpw, D), jnp.float32),
            pltpu.VMEM((bpw,), jnp.float32),
            pltpu.SemaphoreType.DMA,
            pltpu.SemaphoreType.DMA,
        ],
    )
    def run_a(uidx_h, cidx_h, uw_h, tw_h, ustage_h, cu_h,
              uidx_v, cidx_v, u_v, c_v, cu_v, sem_rows, sem_c):
        w = lax.axis_index("s") * NC + lax.axis_index("c")
        iot = lax.iota(jnp.int32, LANES)

        pltpu.sync_copy(uidx_h.at[w], uidx_v)
        pltpu.sync_copy(cidx_h.at[:, w], cidx_v)

        first = []
        for ch in range(nch):
            first.append(pltpu.async_copy(
                tw_h.at[cidx_v.at[0, ch]],
                c_v.at[pl.ds(ch * CHUNK, CHUNK)], sem_c))
        rows = []
        for ch in range(nch):
            rows.append(pltpu.async_copy(
                uw_h.at[uidx_v.at[ch]],
                u_v.at[pl.ds(ch * CHUNK, CHUNK)], sem_rows))
        for dsc in first:
            dsc.wait()

        def fire(l, carry):
            for ch in range(nch):
                pltpu.async_copy(tw_h.at[cidx_v.at[l, ch]],
                                 c_v.at[pl.ds(ch * CHUNK, CHUNK)],
                                 sem_c, add=True)
            return carry
        lax.fori_loop(1, Lw, fire, 0)

        def drain(l, carry):
            for ch in range(nch):
                pltpu.make_async_copy(tw_h.at[cidx_v.at[l, ch]],
                                      c_v.at[pl.ds(ch * CHUNK, CHUNK)],
                                      sem_c).wait()
            return carry
        lax.fori_loop(1, Lw, drain, 0)
        for dsc in rows:
            dsc.wait()

        def group(g, carry):
            r = g * LANES + iot

            def dot_step(d, acc):
                dv = jnp.full((LANES,), d, jnp.int32)
                return acc + (plsc.load_gather(u_v, [r, dv]) *
                              plsc.load_gather(c_v, [r, dv]))

            s_c = lax.fori_loop(0, D, dot_step, jnp.zeros((LANES,),
                                                          jnp.float32))
            cu_v[pl.ds(g * LANES, LANES)] = s_c
            return carry
        lax.fori_loop(0, ngr, group, 0)

        base = w * bpw
        pltpu.sync_copy(u_v, ustage_h.at[pl.ds(base, bpw)])
        pltpu.sync_copy(cu_v, cu_h.at[pl.ds(base, bpw)])

    @functools.partial(
        pl.kernel,
        out_type=(jax.ShapeDtypeStruct((B,), jnp.float32),
                  jax.ShapeDtypeStruct((B,), jnp.float32)),
        mesh=mesh,
        compiler_params=_PARAMS,
        scratch_types=[
            pltpu.VMEM((nch, CHUNK), jnp.int32),
            pltpu.VMEM((nch, CHUNK), jnp.int32),
            pltpu.VMEM((bpw, D), jnp.float32),
            pltpu.VMEM((bpw, D), jnp.float32),
            pltpu.VMEM((bpw, D), jnp.float32),
            pltpu.VMEM((bpw,), jnp.float32),
            pltpu.VMEM((bpw,), jnp.float32),
            pltpu.VMEM((bpw,), jnp.float32),
            pltpu.SemaphoreType.DMA,
        ],
    )
    def run_b(pidx_h, nidx_h, iw_h, ustage_h, cu_h, spos_h, sneg_h,
              pidx_v, nidx_v, u_v, ip_v, in_v, cu_v, sp_v, sn_v, sem_rows):
        w = lax.axis_index("s") * NC + lax.axis_index("c")
        iot = lax.iota(jnp.int32, LANES)
        base = w * bpw

        pltpu.sync_copy(pidx_h.at[w], pidx_v)
        pltpu.sync_copy(nidx_h.at[w], nidx_v)

        rows = []
        for ch in range(nch):
            sl = pl.ds(ch * CHUNK, CHUNK)
            rows.append(pltpu.async_copy(iw_h.at[pidx_v.at[ch]],
                                         ip_v.at[sl], sem_rows))
            rows.append(pltpu.async_copy(iw_h.at[nidx_v.at[ch]],
                                         in_v.at[sl], sem_rows))
        pltpu.sync_copy(ustage_h.at[pl.ds(base, bpw)], u_v)
        pltpu.sync_copy(cu_h.at[pl.ds(base, bpw)], cu_v)
        for dsc in rows:
            dsc.wait()

        inv_l = jnp.float32(1.0 / Lw)

        def group(g, carry):
            r = g * LANES + iot
            sl = pl.ds(g * LANES, LANES)

            z = jnp.zeros((LANES,), jnp.float32)
            s_p = z
            s_n = z
            for d in range(D):
                dv = jnp.full((LANES,), d, jnp.int32)
                uu = plsc.load_gather(u_v, [r, dv])
                s_p = s_p + uu * plsc.load_gather(ip_v, [r, dv])
                s_n = s_n + uu * plsc.load_gather(in_v, [r, dv])
            sc = cu_v[sl] * inv_l
            sp_v[sl] = s_p + sc
            sn_v[sl] = s_n + sc
            return carry
        lax.fori_loop(0, ngr, group, 0)

        pltpu.sync_copy(sp_v, spos_h.at[pl.ds(base, bpw)])
        pltpu.sync_copy(sn_v, sneg_h.at[pl.ds(base, bpw)])

    ustage, cu = run_a(uidx, cidx, user_embed_w, text_embed_w)
    sp, sn = run_b(pidx, nidx, item_embed_w, ustage, cu)
    return sp, sn

# --- scband reference (transcript-rebuilt; emitter-appended) ---
"""Pipeline reference for scband-bprmodel-4123168604808 (READ-ONLY COPY).

The authoritative reference and input builder live on the scoring server;
editing this copy changes nothing except your own understanding.
"""

import jax, jax.numpy as jnp
import numpy as np

NUM_USERS = 100000
NUM_ITEMS = 1000000
VOCAB_SIZE = 100000
EMBED_DIM = 32
B = 16384
L = 50


def setup_inputs(seed: int = 0) -> dict:
    key = jax.random.key(seed)
    ks = jax.random.split(key, 7)
    user = jax.random.randint(ks[0], (B,), 0, NUM_USERS)
    pos_item = jax.random.randint(ks[1], (B,), 0, NUM_ITEMS)
    neg_item = jax.random.randint(ks[2], (B,), 0, NUM_ITEMS)
    comment_tensor = jax.random.randint(ks[3], (B, L), 0, VOCAB_SIZE)
    user_embed_w = jax.random.normal(ks[4], (NUM_USERS, EMBED_DIM), dtype=jnp.float32) * 0.02
    item_embed_w = jax.random.normal(ks[5], (NUM_ITEMS, EMBED_DIM), dtype=jnp.float32) * 0.02
    text_embed_w = jax.random.normal(ks[6], (VOCAB_SIZE, EMBED_DIM), dtype=jnp.float32) * 0.02
    return {
        "user": user,
        "pos_item": pos_item,
        "neg_item": neg_item,
        "comment_tensor": comment_tensor,
        "user_embed_w": user_embed_w,
        "item_embed_w": item_embed_w,
        "text_embed_w": text_embed_w,
    }


def reference(user, pos_item, neg_item, comment_tensor, user_embed_w, item_embed_w, text_embed_w):
    # BPRModel.forward
    u = jnp.take(user_embed_w, user, axis=0)               # [B, D]
    i_pos = jnp.take(item_embed_w, pos_item, axis=0)       # [B, D]
    i_neg = jnp.take(item_embed_w, neg_item, axis=0)       # [B, D]
    # TextEmbedder.forward: embedding lookup then mean over sequence dim
    c = jnp.take(text_embed_w, comment_tensor, axis=0).mean(axis=1)  # [B, D]
    i_pos = i_pos + c
    i_neg = i_neg + c
    score_pos = (u * i_pos).sum(axis=1)
    score_neg = (u * i_neg).sum(axis=1)
    return (score_pos, score_neg)

if __name__ == "__main__":
    import jax
    _d = setup_inputs()
    print(jax.jit(kernel)(*tuple(_d.values())))

</pallas_src>

<mosaic_0001>
#map = affine_map<(d0, d1) -> (0, 0, 0)>
#map1 = affine_map<(d0, d1) -> (0, 0)>
#map2 = affine_map<(d0, d1) -> (0)>
module attributes {stable_mosaic.version = 14 : i64} {
  func.func @run_b(%arg0: i32, %arg1: i32, %arg2: memref<32x4x128xi32, #tpu.memory_space<hbm>>, %arg3: memref<32x4x128xi32, #tpu.memory_space<hbm>>, %arg4: memref<1000000x32xf32, #tpu.memory_space<hbm>>, %arg5: memref<16384x32xf32, #tpu.memory_space<hbm>>, %arg6: memref<16384xf32, #tpu.memory_space<hbm>>, %arg7: memref<16384xf32, #tpu.memory_space<hbm>>, %arg8: memref<16384xf32, #tpu.memory_space<hbm>>, %arg9: memref<4x128xi32, #tpu.memory_space<vmem>>, %arg10: memref<4x128xi32, #tpu.memory_space<vmem>>, %arg11: memref<512x32xf32, #tpu.memory_space<vmem>>, %arg12: memref<512x32xf32, #tpu.memory_space<vmem>>, %arg13: memref<512x32xf32, #tpu.memory_space<vmem>>, %arg14: memref<512xf32, #tpu.memory_space<vmem>>, %arg15: memref<512xf32, #tpu.memory_space<vmem>>, %arg16: memref<512xf32, #tpu.memory_space<vmem>>, %arg17: memref<!tpu.dma_semaphore, #tpu.memory_space<semaphore_mem>>) attributes {dimension_semantics = [#tpu.dimension_semantics<core_parallel>, #tpu.dimension_semantics<subcore_parallel>], iteration_bounds = array<i64: 2, 16>, scalar_prefetch = 0 : i64, scratch_operands = 9 : i64, tpu.core_type = #tpu.core_type<sc_vector_subcore>, window_params = [{transform_indices = #map}, {transform_indices = #map}, {transform_indices = #map1}, {transform_indices = #map1}, {transform_indices = #map2}, {transform_indices = #map2}, {transform_indices = #map2}]} {
    %mul3A = arith.constant 2 : i32
    %mul3A_0 = arith.muli %arg1, %mul3A : i32
    %add3A = arith.addi %mul3A_0, %arg0 : i32
    %iota3A = tpu.iota {dimensions = array<i32: 0>} : vector<16xi32>
    %mul3A_1 = arith.constant 512 : i32
    %mul3A_2 = arith.muli %add3A, %mul3A_1 : i32
    "tpu.region"() ({
      %run_scoped3A = tpu.sem_alloc : memref<!tpu.dma_semaphore, #tpu.memory_space<semaphore_mem>>
      %dma_start3A_167 = arith.constant 0 : i32
      %dma_start3A_168 = arith.constant 0 : i32
      %dma_start3A_169 = tpu.memref_slice %arg2[%add3A, %dma_start3A_167, %dma_start3A_168] : memref<32x4x128xi32, #tpu.memory_space<hbm>> -> memref<1x4x128xi32, #tpu.memory_space<hbm>>
      %dma_start3A_170 = tpu.memref_squeeze %dma_start3A_169 : memref<1x4x128xi32, #tpu.memory_space<hbm>> -> memref<4x128xi32, #tpu.memory_space<hbm>>
      %dma_start3A_171 = arith.constant 0 : i32
      %dma_start3A_172 = arith.constant 0 : i32
      %dma_start3A_173 = tpu.memref_slice %arg2[%add3A, %dma_start3A_171, %dma_start3A_172] : memref<32x4x128xi32, #tpu.memory_space<hbm>> -> memref<1x4x128xi32, #tpu.memory_space<hbm>>
      %dma_start3A_174 = tpu.memref_squeeze %dma_start3A_173 : memref<1x4x128xi32, #tpu.memory_space<hbm>> -> memref<4x128xi32, #tpu.memory_space<hbm>>
      tpu.enqueue_dma source(%dma_start3A_174 : memref<4x128xi32, #tpu.memory_space<hbm>>) target(%arg9 : memref<4x128xi32, #tpu.memory_space<vmem>>) target_semaphore(%run_scoped3A : memref<!tpu.dma_semaphore, #tpu.memory_space<semaphore_mem>>)
      %dma_wait3A_175 = arith.constant 0 : i32
      %dma_wait3A_176 = arith.constant 0 : i32
      %dma_wait3A_177 = tpu.memref_slice %arg2[%add3A, %dma_wait3A_175, %dma_wait3A_176] : memref<32x4x128xi32, #tpu.memory_space<hbm>> -> memref<1x4x128xi32, #tpu.memory_space<hbm>>
      %dma_wait3A_178 = tpu.memref_squeeze %dma_wait3A_177 : memref<1x4x128xi32, #tpu.memory_space<hbm>> -> memref<4x128xi32, #tpu.memory_space<hbm>>
      %dma_wait3A_179 = arith.constant 0 : i32
      %dma_wait3A_180 = arith.constant 0 : i32
      %dma_wait3A_181 = tpu.memref_slice %arg2[%add3A, %dma_wait3A_179, %dma_wait3A_180] : memref<32x4x128xi32, #tpu.memory_space<hbm>> -> memref<1x4x128xi32, #tpu.memory_space<hbm>>
      %dma_wait3A_182 = tpu.memref_squeeze %dma_wait3A_181 : memref<1x4x128xi32, #tpu.memory_space<hbm>> -> memref<4x128xi32, #tpu.memory_space<hbm>>
      tpu.wait_dma2 semaphore(%run_scoped3A : memref<!tpu.dma_semaphore, #tpu.memory_space<semaphore_mem>>) src(%dma_wait3A_182 : memref<4x128xi32, #tpu.memory_space<hbm>>) dst(%arg9 : memref<4x128xi32, #tpu.memory_space<vmem>>)
      tpu.yield
    }) : () -> ()
    "tpu.region"() ({
      %run_scoped3A = tpu.sem_alloc : memref<!tpu.dma_semaphore, #tpu.memory_space<semaphore_mem>>
      %dma_start3A_167 = arith.constant 0 : i32
      %dma_start3A_168 = arith.constant 0 : i32
      %dma_start3A_169 = tpu.memref_slice %arg3[%add3A, %dma_start3A_167, %dma_start3A_168] : memref<32x4x128xi32, #tpu.memory_space<hbm>> -> memref<1x4x128xi32, #tpu.memory_space<hbm>>
      %dma_start3A_170 = tpu.memref_squeeze %dma_start3A_169 : memref<1x4x128xi32, #tpu.memory_space<hbm>> -> memref<4x128xi32, #tpu.memory_space<hbm>>
      %dma_start3A_171 = arith.constant 0 : i32
      %dma_start3A_172 = arith.constant 0 : i32
      %dma_start3A_173 = tpu.memref_slice %arg3[%add3A, %dma_start3A_171, %dma_start3A_172] : memref<32x4x128xi32, #tpu.memory_space<hbm>> -> memref<1x4x128xi32, #tpu.memory_space<hbm>>
      %dma_start3A_174 = tpu.memref_squeeze %dma_start3A_173 : memref<1x4x128xi32, #tpu.memory_space<hbm>> -> memref<4x128xi32, #tpu.memory_space<hbm>>
      tpu.enqueue_dma source(%dma_start3A_174 : memref<4x128xi32, #tpu.memory_space<hbm>>) target(%arg10 : memref<4x128xi32, #tpu.memory_space<vmem>>) target_semaphore(%run_scoped3A : memref<!tpu.dma_semaphore, #tpu.memory_space<semaphore_mem>>)
      %dma_wait3A_175 = arith.constant 0 : i32
      %dma_wait3A_176 = arith.constant 0 : i32
      %dma_wait3A_177 = tpu.memref_slice %arg3[%add3A, %dma_wait3A_175, %dma_wait3A_176] : memref<32x4x128xi32, #tpu.memory_space<hbm>> -> memref<1x4x128xi32, #tpu.memory_space<hbm>>
      %dma_wait3A_178 = tpu.memref_squeeze %dma_wait3A_177 : memref<1x4x128xi32, #tpu.memory_space<hbm>> -> memref<4x128xi32, #tpu.memory_space<hbm>>
      %dma_wait3A_179 = arith.constant 0 : i32
      %dma_wait3A_180 = arith.constant 0 : i32
      %dma_wait3A_181 = tpu.memref_slice %arg3[%add3A, %dma_wait3A_179, %dma_wait3A_180] : memref<32x4x128xi32, #tpu.memory_space<hbm>> -> memref<1x4x128xi32, #tpu.memory_space<hbm>>
      %dma_wait3A_182 = tpu.memref_squeeze %dma_wait3A_181 : memref<1x4x128xi32, #tpu.memory_space<hbm>> -> memref<4x128xi32, #tpu.memory_space<hbm>>
      tpu.wait_dma2 semaphore(%run_scoped3A : memref<!tpu.dma_semaphore, #tpu.memory_space<semaphore_mem>>) src(%dma_wait3A_182 : memref<4x128xi32, #tpu.memory_space<hbm>>) dst(%arg10 : memref<4x128xi32, #tpu.memory_space<vmem>>)
      tpu.yield
    }) : () -> ()
    %dma_start3A = arith.constant 0 : i32
    %dma_start3A_3 = arith.constant 0 : i32
    %dma_start3A_4 = arith.constant 0 : i32
    %dma_start3A_5 = tpu.memref_slice %arg12[%dma_start3A_3, %dma_start3A_4] : memref<512x32xf32, #tpu.memory_space<vmem>> -> memref<128x32xf32, #tpu.memory_space<vmem>>
    %dma_start3A_6 = arith.constant 0 : i32
    %dma_start3A_7 = tpu.memref_slice %arg9[%dma_start3A, %dma_start3A_6] : memref<4x128xi32, #tpu.memory_space<vmem>> -> memref<1x128xi32, #tpu.memory_space<vmem>>
    %dma_start3A_8 = tpu.memref_squeeze %dma_start3A_7 : memref<1x128xi32, #tpu.memory_space<vmem>> -> memref<128xi32, #tpu.memory_space<vmem>>
    %dma_start3A_9 = arith.constant 0 : i32
    %dma_start3A_10 = arith.constant 0 : i32
    %dma_start3A_11 = tpu.memref_slice %arg4[%dma_start3A_9, %dma_start3A_10] : memref<1000000x32xf32, #tpu.memory_space<hbm>> -> memref<1000000x32xf32, #tpu.memory_space<hbm>>
    tpu.enqueue_indirect_dma source(%dma_start3A_11 : memref<1000000x32xf32, #tpu.memory_space<hbm>>) target(%dma_start3A_5 : memref<128x32xf32, #tpu.memory_space<vmem>>) offsets(%dma_start3A_8 : memref<128xi32, #tpu.memory_space<vmem>>) semaphore(%arg17 : memref<!tpu.dma_semaphore, #tpu.memory_space<semaphore_mem>>)
    %dma_start3A_12 = arith.constant 0 : i32
    %dma_start3A_13 = arith.constant 0 : i32
    %dma_start3A_14 = arith.constant 0 : i32
    %dma_start3A_15 = tpu.memref_slice %arg13[%dma_start3A_13, %dma_start3A_14] : memref<512x32xf32, #tpu.memory_space<vmem>> -> memref<128x32xf32, #tpu.memory_space<vmem>>
    %dma_start3A_16 = arith.constant 0 : i32
    %dma_start3A_17 = tpu.memref_slice %arg10[%dma_start3A_12, %dma_start3A_16] : memref<4x128xi32, #tpu.memory_space<vmem>> -> memref<1x128xi32, #tpu.memory_space<vmem>>
    %dma_start3A_18 = tpu.memref_squeeze %dma_start3A_17 : memref<1x128xi32, #tpu.memory_space<vmem>> -> memref<128xi32, #tpu.memory_space<vmem>>
    %dma_start3A_19 = arith.constant 0 : i32
    %dma_start3A_20 = arith.constant 0 : i32
    %dma_start3A_21 = tpu.memref_slice %arg4[%dma_start3A_19, %dma_start3A_20] : memref<1000000x32xf32, #tpu.memory_space<hbm>> -> memref<1000000x32xf32, #tpu.memory_space<hbm>>
    tpu.enqueue_indirect_dma source(%dma_start3A_21 : memref<1000000x32xf32, #tpu.memory_space<hbm>>) target(%dma_start3A_15 : memref<128x32xf32, #tpu.memory_space<vmem>>) offsets(%dma_start3A_18 : memref<128xi32, #tpu.memory_space<vmem>>) semaphore(%arg17 : memref<!tpu.dma_semaphore, #tpu.memory_space<semaphore_mem>>)
    %dma_start3A_22 = arith.constant 1 : i32
    %dma_start3A_23 = arith.constant 128 : i32
    %dma_start3A_24 = arith.constant 0 : i32
    %dma_start3A_25 = tpu.memref_slice %arg12[%dma_start3A_23, %dma_start3A_24] : memref<512x32xf32, #tpu.memory_space<vmem>> -> memref<128x32xf32, #tpu.memory_space<vmem>>
    %dma_start3A_26 = arith.constant 0 : i32
    %dma_start3A_27 = tpu.memref_slice %arg9[%dma_start3A_22, %dma_start3A_26] : memref<4x128xi32, #tpu.memory_space<vmem>> -> memref<1x128xi32, #tpu.memory_space<vmem>>
    %dma_start3A_28 = tpu.memref_squeeze %dma_start3A_27 : memref<1x128xi32, #tpu.memory_space<vmem>> -> memref<128xi32, #tpu.memory_space<vmem>>
    %dma_start3A_29 = arith.constant 0 : i32
    %dma_start3A_30 = arith.constant 0 : i32
    %dma_start3A_31 = tpu.memref_slice %arg4[%dma_start3A_29, %dma_start3A_30] : memref<1000000x32xf32, #tpu.memory_space<hbm>> -> memref<1000000x32xf32, #tpu.memory_space<hbm>>
    tpu.enqueue_indirect_dma source(%dma_start3A_31 : memref<1000000x32xf32, #tpu.memory_space<hbm>>) target(%dma_start3A_25 : memref<128x32xf32, #tpu.memory_space<vmem>>) offsets(%dma_start3A_28 : memref<128xi32, #tpu.memory_space<vmem>>) semaphore(%arg17 : memref<!tpu.dma_semaphore, #tpu.memory_space<semaphore_mem>>)
    %dma_start3A_32 = arith.constant 1 : i32
    %dma_start3A_33 = arith.constant 128 : i32
    %dma_start3A_34 = arith.constant 0 : i32
    %dma_start3A_35 = tpu.memref_slice %arg13[%dma_start3A_33, %dma_start3A_34] : memref<512x32xf32, #tpu.memory_space<vmem>> -> memref<128x32xf32, #tpu.memory_space<vmem>>
    %dma_start3A_36 = arith.constant 0 : i32
    %dma_start3A_37 = tpu.memref_slice %arg10[%dma_start3A_32, %dma_start3A_36] : memref<4x128xi32, #tpu.memory_space<vmem>> -> memref<1x128xi32, #tpu.memory_space<vmem>>
    %dma_start3A_38 = tpu.memref_squeeze %dma_start3A_37 : memref<1x128xi32, #tpu.memory_space<vmem>> -> memref<128xi32, #tpu.memory_space<vmem>>
    %dma_start3A_39 = arith.constant 0 : i32
    %dma_start3A_40 = arith.constant 0 : i32
    %dma_start3A_41 = tpu.memref_slice %arg4[%dma_start3A_39, %dma_start3A_40] : memref<1000000x32xf32, #tpu.memory_space<hbm>> -> memref<1000000x32xf32, #tpu.memory_space<hbm>>
    tpu.enqueue_indirect_dma source(%dma_start3A_41 : memref<1000000x32xf32, #tpu.memory_space<hbm>>) target(%dma_start3A_35 : memref<128x32xf32, #tpu.memory_space<vmem>>) offsets(%dma_start3A_38 : memref<128xi32, #tpu.memory_space<vmem>>) semaphore(%arg17 : memref<!tpu.dma_semaphore, #tpu.memory_space<semaphore_mem>>)
    %dma_start3A_42 = arith.constant 2 : i32
    %dma_start3A_43 = arith.constant 256 : i32
    %dma_start3A_44 = arith.constant 0 : i32
    %dma_start3A_45 = tpu.memref_slice %arg12[%dma_start3A_43, %dma_start3A_44] : memref<512x32xf32, #tpu.memory_space<vmem>> -> memref<128x32xf32, #tpu.memory_space<vmem>>
    %dma_start3A_46 = arith.constant 0 : i32
    %dma_start3A_47 = tpu.memref_slice %arg9[%dma_start3A_42, %dma_start3A_46] : memref<4x128xi32, #tpu.memory_space<vmem>> -> memref<1x128xi32, #tpu.memory_space<vmem>>
    %dma_start3A_48 = tpu.memref_squeeze %dma_start3A_47 : memref<1x128xi32, #tpu.memory_space<vmem>> -> memref<128xi32, #tpu.memory_space<vmem>>
    %dma_start3A_49 = arith.constant 0 : i32
    %dma_start3A_50 = arith.constant 0 : i32
    %dma_start3A_51 = tpu.memref_slice %arg4[%dma_start3A_49, %dma_start3A_50] : memref<1000000x32xf32, #tpu.memory_space<hbm>> -> memref<1000000x32xf32, #tpu.memory_space<hbm>>
    tpu.enqueue_indirect_dma source(%dma_start3A_51 : memref<1000000x32xf32, #tpu.memory_space<hbm>>) target(%dma_start3A_45 : memref<128x32xf32, #tpu.memory_space<vmem>>) offsets(%dma_start3A_48 : memref<128xi32, #tpu.memory_space<vmem>>) semaphore(%arg17 : memref<!tpu.dma_semaphore, #tpu.memory_space<semaphore_mem>>)
    %dma_start3A_52 = arith.constant 2 : i32
    %dma_start3A_53 = arith.constant 256 : i32
    %dma_start3A_54 = arith.constant 0 : i32
    %dma_start3A_55 = tpu.memref_slice %arg13[%dma_start3A_53, %dma_start3A_54] : memref<512x32xf32, #tpu.memory_space<vmem>> -> memref<128x32xf32, #tpu.memory_space<vmem>>
    %dma_start3A_56 = arith.constant 0 : i32
    %dma_start3A_57 = tpu.memref_slice %arg10[%dma_start3A_52, %dma_start3A_56] : memref<4x128xi32, #tpu.memory_space<vmem>> -> memref<1x128xi32, #tpu.memory_space<vmem>>
    %dma_start3A_58 = tpu.memref_squeeze %dma_start3A_57 : memref<1x128xi32, #tpu.memory_space<vmem>> -> memref<128xi32, #tpu.memory_space<vmem>>
    %dma_start3A_59 = arith.constant 0 : i32
    %dma_start3A_60 = arith.constant 0 : i32
    %dma_start3A_61 = tpu.memref_slice %arg4[%dma_start3A_59, %dma_start3A_60] : memref<1000000x32xf32, #tpu.memory_space<hbm>> -> memref<1000000x32xf32, #tpu.memory_space<hbm>>
    tpu.enqueue_indirect_dma source(%dma_start3A_61 : memref<1000000x32xf32, #tpu.memory_space<hbm>>) target(%dma_start3A_55 : memref<128x32xf32, #tpu.memory_space<vmem>>) offsets(%dma_start3A_58 : memref<128xi32, #tpu.memory_space<vmem>>) semaphore(%arg17 : memref<!tpu.dma_semaphore, #tpu.memory_space<semaphore_mem>>)
    %dma_start3A_62 = arith.constant 3 : i32
    %dma_start3A_63 = arith.constant 384 : i32
    %dma_start3A_64 = arith.constant 0 : i32
    %dma_start3A_65 = tpu.memref_slice %arg12[%dma_start3A_63, %dma_start3A_64] : memref<512x32xf32, #tpu.memory_space<vmem>> -> memref<128x32xf32, #tpu.memory_space<vmem>>
    %dma_start3A_66 = arith.constant 0 : i32
    %dma_start3A_67 = tpu.memref_slice %arg9[%dma_start3A_62, %dma_start3A_66] : memref<4x128xi32, #tpu.memory_space<vmem>> -> memref<1x128xi32, #tpu.memory_space<vmem>>
    %dma_start3A_68 = tpu.memref_squeeze %dma_start3A_67 : memref<1x128xi32, #tpu.memory_space<vmem>> -> memref<128xi32, #tpu.memory_space<vmem>>
    %dma_start3A_69 = arith.constant 0 : i32
    %dma_start3A_70 = arith.constant 0 : i32
    %dma_start3A_71 = tpu.memref_slice %arg4[%dma_start3A_69, %dma_start3A_70] : memref<1000000x32xf32, #tpu.memory_space<hbm>> -> memref<1000000x32xf32, #tpu.memory_space<hbm>>
    tpu.enqueue_indirect_dma source(%dma_start3A_71 : memref<1000000x32xf32, #tpu.memory_space<hbm>>) target(%dma_start3A_65 : memref<128x32xf32, #tpu.memory_space<vmem>>) offsets(%dma_start3A_68 : memref<128xi32, #tpu.memory_space<vmem>>) semaphore(%arg17 : memref<!tpu.dma_semaphore, #tpu.memory_space<semaphore_mem>>)
    %dma_start3A_72 = arith.constant 3 : i32
    %dma_start3A_73 = arith.constant 384 : i32
    %dma_start3A_74 = arith.constant 0 : i32
    %dma_start3A_75 = tpu.memref_slice %arg13[%dma_start3A_73, %dma_start3A_74] : memref<512x32xf32, #tpu.memory_space<vmem>> -> memref<128x32xf32, #tpu.memory_space<vmem>>
    %dma_start3A_76 = arith.constant 0 : i32
    %dma_start3A_77 = tpu.memref_slice %arg10[%dma_start3A_72, %dma_start3A_76] : memref<4x128xi32, #tpu.memory_space<vmem>> -> memref<1x128xi32, #tpu.memory_space<vmem>>
    %dma_start3A_78 = tpu.memref_squeeze %dma_start3A_77 : memref<1x128xi32, #tpu.memory_space<vmem>> -> memref<128xi32, #tpu.memory_space<vmem>>
    %dma_start3A_79 = arith.constant 0 : i32
    %dma_start3A_80 = arith.constant 0 : i32
    %dma_start3A_81 = tpu.memref_slice %arg4[%dma_start3A_79, %dma_start3A_80] : memref<1000000x32xf32, #tpu.memory_space<hbm>> -> memref<1000000x32xf32, #tpu.memory_space<hbm>>
    tpu.enqueue_indirect_dma source(%dma_start3A_81 : memref<1000000x32xf32, #tpu.memory_space<hbm>>) target(%dma_start3A_75 : memref<128x32xf32, #tpu.memory_space<vmem>>) offsets(%dma_start3A_78 : memref<128xi32, #tpu.memory_space<vmem>>) semaphore(%arg17 : memref<!tpu.dma_semaphore, #tpu.memory_space<semaphore_mem>>)
    "tpu.region"() ({
      %run_scoped3A = tpu.sem_alloc : memref<!tpu.dma_semaphore, #tpu.memory_space<semaphore_mem>>
      %dma_start3A_167 = arith.constant 0 : i32
      %dma_start3A_168 = tpu.memref_slice %arg5[%mul3A_2, %dma_start3A_167] : memref<16384x32xf32, #tpu.memory_space<hbm>> -> memref<512x32xf32, #tpu.memory_space<hbm>>
      %dma_start3A_169 = arith.constant 0 : i32
      %dma_start3A_170 = tpu.memref_slice %arg5[%mul3A_2, %dma_start3A_169] : memref<16384x32xf32, #tpu.memory_space<hbm>> -> memref<512x32xf32, #tpu.memory_space<hbm>>
      tpu.enqueue_dma source(%dma_start3A_170 : memref<512x32xf32, #tpu.memory_space<hbm>>) target(%arg11 : memref<512x32xf32, #tpu.memory_space<vmem>>) target_semaphore(%run_scoped3A : memref<!tpu.dma_semaphore, #tpu.memory_space<semaphore_mem>>)
      %dma_wait3A_171 = arith.constant 0 : i32
      %dma_wait3A_172 = tpu.memref_slice %arg5[%mul3A_2, %dma_wait3A_171] : memref<16384x32xf32, #tpu.memory_space<hbm>> -> memref<512x32xf32, #tpu.memory_space<hbm>>
      %dma_wait3A_173 = arith.constant 0 : i32
      %dma_wait3A_174 = tpu.memref_slice %arg5[%mul3A_2, %dma_wait3A_173] : memref<16384x32xf32, #tpu.memory_space<hbm>> -> memref<512x32xf32, #tpu.memory_space<hbm>>
      tpu.wait_dma2 semaphore(%run_scoped3A : memref<!tpu.dma_semaphore, #tpu.memory_space<semaphore_mem>>) src(%dma_wait3A_174 : memref<512x32xf32, #tpu.memory_space<hbm>>) dst(%arg11 : memref<512x32xf32, #tpu.memory_space<vmem>>)
      tpu.yield
    }) : () -> ()
    "tpu.region"() ({
      %run_scoped3A = tpu.sem_alloc : memref<!tpu.dma_semaphore, #tpu.memory_space<semaphore_mem>>
      %dma_start3A_167 = tpu.memref_slice %arg6[%mul3A_2] : memref<16384xf32, #tpu.memory_space<hbm>> -> memref<512xf32, #tpu.memory_space<hbm>>
      %dma_start3A_168 = tpu.memref_slice %arg6[%mul3A_2] : memref<16384xf32, #tpu.memory_space<hbm>> -> memref<512xf32, #tpu.memory_space<hbm>>
      tpu.enqueue_dma source(%dma_start3A_168 : memref<512xf32, #tpu.memory_space<hbm>>) target(%arg14 : memref<512xf32, #tpu.memory_space<vmem>>) target_semaphore(%run_scoped3A : memref<!tpu.dma_semaphore, #tpu.memory_space<semaphore_mem>>)
      %dma_wait3A_169 = tpu.memref_slice %arg6[%mul3A_2] : memref<16384xf32, #tpu.memory_space<hbm>> -> memref<512xf32, #tpu.memory_space<hbm>>
      %dma_wait3A_170 = tpu.memref_slice %arg6[%mul3A_2] : memref<16384xf32, #tpu.memory_space<hbm>> -> memref<512xf32, #tpu.memory_space<hbm>>
      tpu.wait_dma2 semaphore(%run_scoped3A : memref<!tpu.dma_semaphore, #tpu.memory_space<semaphore_mem>>) src(%dma_wait3A_170 : memref<512xf32, #tpu.memory_space<hbm>>) dst(%arg14 : memref<512xf32, #tpu.memory_space<vmem>>)
      tpu.yield
    }) : () -> ()
    %dma_wait3A = arith.constant 0 : i32
    %dma_wait3A_82 = arith.constant 0 : i32
    %dma_wait3A_83 = arith.constant 0 : i32
    %dma_wait3A_84 = tpu.memref_slice %arg12[%dma_wait3A_82, %dma_wait3A_83] : memref<512x32xf32, #tpu.memory_space<vmem>> -> memref<128x32xf32, #tpu.memory_space<vmem>>
    %dma_wait3A_85 = arith.constant 0 : i32
    %dma_wait3A_86 = tpu.memref_slice %arg9[%dma_wait3A, %dma_wait3A_85] : memref<4x128xi32, #tpu.memory_space<vmem>> -> memref<1x128xi32, #tpu.memory_space<vmem>>
    %dma_wait3A_87 = tpu.memref_squeeze %dma_wait3A_86 : memref<1x128xi32, #tpu.memory_space<vmem>> -> memref<128xi32, #tpu.memory_space<vmem>>
    %dma_wait3A_88 = arith.constant 0 : i32
    %dma_wait3A_89 = arith.constant 0 : i32
    %dma_wait3A_90 = tpu.memref_slice %arg4[%dma_wait3A_88, %dma_wait3A_89] : memref<1000000x32xf32, #tpu.memory_space<hbm>> -> memref<1000000x32xf32, #tpu.memory_space<hbm>>
    tpu.wait_indirect_dma semaphore(%arg17 : memref<!tpu.dma_semaphore, #tpu.memory_space<semaphore_mem>>) src(%dma_wait3A_90 : memref<1000000x32xf32, #tpu.memory_space<hbm>>) dst(%dma_wait3A_84 : memref<128x32xf32, #tpu.memory_space<vmem>>)
    %dma_wait3A_91 = arith.constant 0 : i32
    %dma_wait3A_92 = arith.constant 0 : i32
    %dma_wait3A_93 = arith.constant 0 : i32
    %dma_wait3A_94 = tpu.memref_slice %arg13[%dma_wait3A_92, %dma_wait3A_93] : memref<512x32xf32, #tpu.memory_space<vmem>> -> memref<128x32xf32, #tpu.memory_space<vmem>>
    %dma_wait3A_95 = arith.constant 0 : i32
    %dma_wait3A_96 = tpu.memref_slice %arg10[%dma_wait3A_91, %dma_wait3A_95] : memref<4x128xi32, #tpu.memory_space<vmem>> -> memref<1x128xi32, #tpu.memory_space<vmem>>
    %dma_wait3A_97 = tpu.memref_squeeze %dma_wait3A_96 : memref<1x128xi32, #tpu.memory_space<vmem>> -> memref<128xi32, #tpu.memory_space<vmem>>
    %dma_wait3A_98 = arith.constant 0 : i32
    %dma_wait3A_99 = arith.constant 0 : i32
    %dma_wait3A_100 = tpu.memref_slice %arg4[%dma_wait3A_98, %dma_wait3A_99] : memref<1000000x32xf32, #tpu.memory_space<hbm>> -> memref<1000000x32xf32, #tpu.memory_space<hbm>>
    tpu.wait_indirect_dma semaphore(%arg17 : memref<!tpu.dma_semaphore, #tpu.memory_space<semaphore_mem>>) src(%dma_wait3A_100 : memref<1000000x32xf32, #tpu.memory_space<hbm>>) dst(%dma_wait3A_94 : memref<128x32xf32, #tpu.memory_space<vmem>>)
    %dma_wait3A_101 = arith.constant 1 : i32
    %dma_wait3A_102 = arith.constant 128 : i32
    %dma_wait3A_103 = arith.constant 0 : i32
    %dma_wait3A_104 = tpu.memref_slice %arg12[%dma_wait3A_102, %dma_wait3A_103] : memref<512x32xf32, #tpu.memory_space<vmem>> -> memref<128x32xf32, #tpu.memory_space<vmem>>
    %dma_wait3A_105 = arith.constant 0 : i32
    %dma_wait3A_106 = tpu.memref_slice %arg9[%dma_wait3A_101, %dma_wait3A_105] : memref<4x128xi32, #tpu.memory_space<vmem>> -> memref<1x128xi32, #tpu.memory_space<vmem>>
    %dma_wait3A_107 = tpu.memref_squeeze %dma_wait3A_106 : memref<1x128xi32, #tpu.memory_space<vmem>> -> memref<128xi32, #tpu.memory_space<vmem>>
    %dma_wait3A_108 = arith.constant 0 : i32
    %dma_wait3A_109 = arith.constant 0 : i32
    %dma_wait3A_110 = tpu.memref_slice %arg4[%dma_wait3A_108, %dma_wait3A_109] : memref<1000000x32xf32, #tpu.memory_space<hbm>> -> memref<1000000x32xf32, #tpu.memory_space<hbm>>
    tpu.wait_indirect_dma semaphore(%arg17 : memref<!tpu.dma_semaphore, #tpu.memory_space<semaphore_mem>>) src(%dma_wait3A_110 : memref<1000000x32xf32, #tpu.memory_space<hbm>>) dst(%dma_wait3A_104 : memref<128x32xf32, #tpu.memory_space<vmem>>)
    %dma_wait3A_111 = arith.constant 1 : i32
    %dma_wait3A_112 = arith.constant 128 : i32
    %dma_wait3A_113 = arith.constant 0 : i32
    %dma_wait3A_114 = tpu.memref_slice %arg13[%dma_wait3A_112, %dma_wait3A_113] : memref<512x32xf32, #tpu.memory_space<vmem>> -> memref<128x32xf32, #tpu.memory_space<vmem>>
    %dma_wait3A_115 = arith.constant 0 : i32
    %dma_wait3A_116 = tpu.memref_slice %arg10[%dma_wait3A_111, %dma_wait3A_115] : memref<4x128xi32, #tpu.memory_space<vmem>> -> memref<1x128xi32, #tpu.memory_space<vmem>>
    %dma_wait3A_117 = tpu.memref_squeeze %dma_wait3A_116 : memref<1x128xi32, #tpu.memory_space<vmem>> -> memref<128xi32, #tpu.memory_space<vmem>>
    %dma_wait3A_118 = arith.constant 0 : i32
    %dma_wait3A_119 = arith.constant 0 : i32
    %dma_wait3A_120 = tpu.memref_slice %arg4[%dma_wait3A_118, %dma_wait3A_119] : memref<1000000x32xf32, #tpu.memory_space<hbm>> -> memref<1000000x32xf32, #tpu.memory_space<hbm>>
    tpu.wait_indirect_dma semaphore(%arg17 : memref<!tpu.dma_semaphore, #tpu.memory_space<semaphore_mem>>) src(%dma_wait3A_120 : memref<1000000x32xf32, #tpu.memory_space<hbm>>) dst(%dma_wait3A_114 : memref<128x32xf32, #tpu.memory_space<vmem>>)
    %dma_wait3A_121 = arith.constant 2 : i32
    %dma_wait3A_122 = arith.constant 256 : i32
    %dma_wait3A_123 = arith.constant 0 : i32
    %dma_wait3A_124 = tpu.memref_slice %arg12[%dma_wait3A_122, %dma_wait3A_123] : memref<512x32xf32, #tpu.memory_space<vmem>> -> memref<128x32xf32, #tpu.memory_space<vmem>>
    %dma_wait3A_125 = arith.constant 0 : i32
    %dma_wait3A_126 = tpu.memref_slice %arg9[%dma_wait3A_121, %dma_wait3A_125] : memref<4x128xi32, #tpu.memory_space<vmem>> -> memref<1x128xi32, #tpu.memory_space<vmem>>
    %dma_wait3A_127 = tpu.memref_squeeze %dma_wait3A_126 : memref<1x128xi32, #tpu.memory_space<vmem>> -> memref<128xi32, #tpu.memory_space<vmem>>
    %dma_wait3A_128 = arith.constant 0 : i32
    %dma_wait3A_129 = arith.constant 0 : i32
    %dma_wait3A_130 = tpu.memref_slice %arg4[%dma_wait3A_128, %dma_wait3A_129] : memref<1000000x32xf32, #tpu.memory_space<hbm>> -> memref<1000000x32xf32, #tpu.memory_space<hbm>>
    tpu.wait_indirect_dma semaphore(%arg17 : memref<!tpu.dma_semaphore, #tpu.memory_space<semaphore_mem>>) src(%dma_wait3A_130 : memref<1000000x32xf32, #tpu.memory_space<hbm>>) dst(%dma_wait3A_124 : memref<128x32xf32, #tpu.memory_space<vmem>>)
    %dma_wait3A_131 = arith.constant 2 : i32
    %dma_wait3A_132 = arith.constant 256 : i32
    %dma_wait3A_133 = arith.constant 0 : i32
    %dma_wait3A_134 = tpu.memref_slice %arg13[%dma_wait3A_132, %dma_wait3A_133] : memref<512x32xf32, #tpu.memory_space<vmem>> -> memref<128x32xf32, #tpu.memory_space<vmem>>
    %dma_wait3A_135 = arith.constant 0 : i32
    %dma_wait3A_136 = tpu.memref_slice %arg10[%dma_wait3A_131, %dma_wait3A_135] : memref<4x128xi32, #tpu.memory_space<vmem>> -> memref<1x128xi32, #tpu.memory_space<vmem>>
    %dma_wait3A_137 = tpu.memref_squeeze %dma_wait3A_136 : memref<1x128xi32, #tpu.memory_space<vmem>> -> memref<128xi32, #tpu.memory_space<vmem>>
    %dma_wait3A_138 = arith.constant 0 : i32
    %dma_wait3A_139 = arith.constant 0 : i32
    %dma_wait3A_140 = tpu.memref_slice %arg4[%dma_wait3A_138, %dma_wait3A_139] : memref<1000000x32xf32, #tpu.memory_space<hbm>> -> memref<1000000x32xf32, #tpu.memory_space<hbm>>
    tpu.wait_indirect_dma semaphore(%arg17 : memref<!tpu.dma_semaphore, #tpu.memory_space<semaphore_mem>>) src(%dma_wait3A_140 : memref<1000000x32xf32, #tpu.memory_space<hbm>>) dst(%dma_wait3A_134 : memref<128x32xf32, #tpu.memory_space<vmem>>)
    %dma_wait3A_141 = arith.constant 3 : i32
    %dma_wait3A_142 = arith.constant 384 : i32
    %dma_wait3A_143 = arith.constant 0 : i32
    %dma_wait3A_144 = tpu.memref_slice %arg12[%dma_wait3A_142, %dma_wait3A_143] : memref<512x32xf32, #tpu.memory_space<vmem>> -> memref<128x32xf32, #tpu.memory_space<vmem>>
    %dma_wait3A_145 = arith.constant 0 : i32
    %dma_wait3A_146 = tpu.memref_slice %arg9[%dma_wait3A_141, %dma_wait3A_145] : memref<4x128xi32, #tpu.memory_space<vmem>> -> memref<1x128xi32, #tpu.memory_space<vmem>>
    %dma_wait3A_147 = tpu.memref_squeeze %dma_wait3A_146 : memref<1x128xi32, #tpu.memory_space<vmem>> -> memref<128xi32, #tpu.memory_space<vmem>>
    %dma_wait3A_148 = arith.constant 0 : i32
    %dma_wait3A_149 = arith.constant 0 : i32
    %dma_wait3A_150 = tpu.memref_slice %arg4[%dma_wait3A_148, %dma_wait3A_149] : memref<1000000x32xf32, #tpu.memory_space<hbm>> -> memref<1000000x32xf32, #tpu.memory_space<hbm>>
    tpu.wait_indirect_dma semaphore(%arg17 : memref<!tpu.dma_semaphore, #tpu.memory_space<semaphore_mem>>) src(%dma_wait3A_150 : memref<1000000x32xf32, #tpu.memory_space<hbm>>) dst(%dma_wait3A_144 : memref<128x32xf32, #tpu.memory_space<vmem>>)
    %dma_wait3A_151 = arith.constant 3 : i32
    %dma_wait3A_152 = arith.constant 384 : i32
    %dma_wait3A_153 = arith.constant 0 : i32
    %dma_wait3A_154 = tpu.memref_slice %arg13[%dma_wait3A_152, %dma_wait3A_153] : memref<512x32xf32, #tpu.memory_space<vmem>> -> memref<128x32xf32, #tpu.memory_space<vmem>>
    %dma_wait3A_155 = arith.constant 0 : i32
    %dma_wait3A_156 = tpu.memref_slice %arg10[%dma_wait3A_151, %dma_wait3A_155] : memref<4x128xi32, #tpu.memory_space<vmem>> -> memref<1x128xi32, #tpu.memory_space<vmem>>
    %dma_wait3A_157 = tpu.memref_squeeze %dma_wait3A_156 : memref<1x128xi32, #tpu.memory_space<vmem>> -> memref<128xi32, #tpu.memory_space<vmem>>
    %dma_wait3A_158 = arith.constant 0 : i32
    %dma_wait3A_159 = arith.constant 0 : i32
    %dma_wait3A_160 = tpu.memref_slice %arg4[%dma_wait3A_158, %dma_wait3A_159] : memref<1000000x32xf32, #tpu.memory_space<hbm>> -> memref<1000000x32xf32, #tpu.memory_space<hbm>>
    tpu.wait_indirect_dma semaphore(%arg17 : memref<!tpu.dma_semaphore, #tpu.memory_space<semaphore_mem>>) src(%dma_wait3A_160 : memref<1000000x32xf32, #tpu.memory_space<hbm>>) dst(%dma_wait3A_154 : memref<128x32xf32, #tpu.memory_space<vmem>>)
    %scan3A = arith.constant 0 : i32
    %scan3A_161 = arith.constant 2.000000e-02 : f32
    %scan3A_162 = arith.constant 0 : i32
    %scan3A_163 = arith.constant 32 : i32
    %scan3A_164 = arith.addi %scan3A_162, %scan3A_163 : i32
    %scan3A_165 = arith.constant 1 : i32
    scf.for %scan3A_167 = %scan3A_162 to %scan3A_164 step %scan3A_165  : i32 {
      %mul3A_168 = arith.constant 16 : i32
      %mul3A_169 = arith.muli %scan3A_167, %mul3A_168 : i32
      %add3A_170 = vector.broadcast %mul3A_169 : i32 to vector<16xi32>
      %add3A_171 = arith.addi %add3A_170, %iota3A : vector<16xi32>
      %mul3A_172 = arith.constant 16 : i32
      %mul3A_173 = arith.muli %scan3A_167, %mul3A_172 : i32
      %broadcast_in_dim3A = arith.constant 0.000000e+00 : f32
      %broadcast_in_dim3A_174 = vector.broadcast %broadcast_in_dim3A : f32 to vector<16xf32>
      %broadcast_in_dim3A_175 = arith.constant 0 : i32
      %broadcast_in_dim3A_176 = vector.broadcast %broadcast_in_dim3A_175 : i32 to vector<16xi32>
      %gather3A = tpu.vector_load_idx %arg11[%add3A_171, %broadcast_in_dim3A_176] : memref<512x32xf32, #tpu.memory_space<vmem>>[vector<16xi32>, vector<16xi32>], vector<16xf32>,
      %gather3A_177 = tpu.vector_load_idx %arg12[%add3A_171, %broadcast_in_dim3A_176] : memref<512x32xf32, #tpu.memory_space<vmem>>[vector<16xi32>, vector<16xi32>], vector<16xf32>,
      %mul3A_178 = arith.mulf %gather3A, %gather3A_177 : vector<16xf32>
      %add3A_179 = arith.addf %broadcast_in_dim3A_174, %mul3A_178 : vector<16xf32>
      %gather3A_180 = tpu.vector_load_idx %arg13[%add3A_171, %broadcast_in_dim3A_176] : memref<512x32xf32, #tpu.memory_space<vmem>>[vector<16xi32>, vector<16xi32>], vector<16xf32>,
      %mul3A_181 = arith.mulf %gather3A, %gather3A_180 : vector<16xf32>
      %add3A_182 = arith.addf %broadcast_in_dim3A_174, %mul3A_181 : vector<16xf32>
      %broadcast_in_dim3A_183 = arith.constant 1 : i32
      %broadcast_in_dim3A_184 = vector.broadcast %broadcast_in_dim3A_183 : i32 to vector<16xi32>
      %gather3A_185 = tpu.vector_load_idx %arg11[%add3A_171, %broadcast_in_dim3A_184] : memref<512x32xf32, #tpu.memory_space<vmem>>[vector<16xi32>, vector<16xi32>], vector<16xf32>,
      %gather3A_186 = tpu.vector_load_idx %arg12[%add3A_171, %broadcast_in_dim3A_184] : memref<512x32xf32, #tpu.memory_space<vmem>>[vector<16xi32>, vector<16xi32>], vector<16xf32>,
      %mul3A_187 = arith.mulf %gather3A_185, %gather3A_186 : vector<16xf32>
      %add3A_188 = arith.addf %add3A_179, %mul3A_187 : vector<16xf32>
      %gather3A_189 = tpu.vector_load_idx %arg13[%add3A_171, %broadcast_in_dim3A_184] : memref<512x32xf32, #tpu.memory_space<vmem>>[vector<16xi32>, vector<16xi32>], vector<16xf32>,
      %mul3A_190 = arith.mulf %gather3A_185, %gather3A_189 : vector<16xf32>
      %add3A_191 = arith.addf %add3A_182, %mul3A_190 : vector<16xf32>
      %broadcast_in_dim3A_192 = arith.constant 2 : i32
      %broadcast_in_dim3A_193 = vector.broadcast %broadcast_in_dim3A_192 : i32 to vector<16xi32>
      %gather3A_194 = tpu.vector_load_idx %arg11[%add3A_171, %broadcast_in_dim3A_193] : memref<512x32xf32, #tpu.memory_space<vmem>>[vector<16xi32>, vector<16xi32>], vector<16xf32>,
      %gather3A_195 = tpu.vector_load_idx %arg12[%add3A_171, %broadcast_in_dim3A_193] : memref<512x32xf32, #tpu.memory_space<vmem>>[vector<16xi32>, vector<16xi32>], vector<16xf32>,
      %mul3A_196 = arith.mulf %gather3A_194, %gather3A_195 : vector<16xf32>
      %add3A_197 = arith.addf %add3A_188, %mul3A_196 : vector<16xf32>
      %gather3A_198 = tpu.vector_load_idx %arg13[%add3A_171, %broadcast_in_dim3A_193] : memref<512x32xf32, #tpu.memory_space<vmem>>[vector<16xi32>, vector<16xi32>], vector<16xf32>,
      %mul3A_199 = arith.mulf %gather3A_194, %gather3A_198 : vector<16xf32>
      %add3A_200 = arith.addf %add3A_191, %mul3A_199 : vector<16xf32>
      %broadcast_in_dim3A_201 = arith.constant 3 : i32
      %broadcast_in_dim3A_202 = vector.broadcast %broadcast_in_dim3A_201 : i32 to vector<16xi32>
      %gather3A_203 = tpu.vector_load_idx %arg11[%add3A_171, %broadcast_in_dim3A_202] : memref<512x32xf32, #tpu.memory_space<vmem>>[vector<16xi32>, vector<16xi32>], vector<16xf32>,
      %gather3A_204 = tpu.vector_load_idx %arg12[%add3A_171, %broadcast_in_dim3A_202] : memref<512x32xf32, #tpu.memory_space<vmem>>[vector<16xi32>, vector<16xi32>], vector<16xf32>,
      %mul3A_205 = arith.mulf %gather3A_203, %gather3A_204 : vector<16xf32>
      %add3A_206 = arith.addf %add3A_197, %mul3A_205 : vector<16xf32>
      %gather3A_207 = tpu.vector_load_idx %arg13[%add3A_171, %broadcast_in_dim3A_202] : memref<512x32xf32, #tpu.memory_space<vmem>>[vector<16xi32>, vector<16xi32>], vector<16xf32>,
      %mul3A_208 = arith.mulf %gather3A_203, %gather3A_207 : vector<16xf32>
      %add3A_209 = arith.addf %add3A_200, %mul3A_208 : vector<16xf32>
      %broadcast_in_dim3A_210 = arith.constant 4 : i32
      %broadcast_in_dim3A_211 = vector.broadcast %broadcast_in_dim3A_210 : i32 to vector<16xi32>
      %gather3A_212 = tpu.vector_load_idx %arg11[%add3A_171, %broadcast_in_dim3A_211] : memref<512x32xf32, #tpu.memory_space<vmem>>[vector<16xi32>, vector<16xi32>], vector<16xf32>,
      %gather3A_213 = tpu.vector_load_idx %arg12[%add3A_171, %broadcast_in_dim3A_211] : memref<512x32xf32, #tpu.memory_space<vmem>>[vector<16xi32>, vector<16xi32>], vector<16xf32>,
      %mul3A_214 = arith.mulf %gather3A_212, %gather3A_213 : vector<16xf32>
      %add3A_215 = arith.addf %add3A_206, %mul3A_214 : vector<16xf32>
      %gather3A_216 = tpu.vector_load_idx %arg13[%add3A_171, %broadcast_in_dim3A_211] : memref<512x32xf32, #tpu.memory_space<vmem>>[vector<16xi32>, vector<16xi32>], vector<16xf32>,
      %mul3A_217 = arith.mulf %gather3A_212, %gather3A_216 : vector<16xf32>
      %add3A_218 = arith.addf %add3A_209, %mul3A_217 : vector<16xf32>
      %broadcast_in_dim3A_219 = arith.constant 5 : i32
      %broadcast_in_dim3A_220 = vector.broadcast %broadcast_in_dim3A_219 : i32 to vector<16xi32>
      %gather3A_221 = tpu.vector_load_idx %arg11[%add3A_171, %broadcast_in_dim3A_220] : memref<512x32xf32, #tpu.memory_space<vmem>>[vector<16xi32>, vector<16xi32>], vector<16xf32>,
      %gather3A_222 = tpu.vector_load_idx %arg12[%add3A_171, %broadcast_in_dim3A_220] : memref<512x32xf32, #tpu.memory_space<vmem>>[vector<16xi32>, vector<16xi32>], vector<16xf32>,
      %mul3A_223 = arith.mulf %gather3A_221, %gather3A_222 : vector<16xf32>
      %add3A_224 = arith.addf %add3A_215, %mul3A_223 : vector<16xf32>
      %gather3A_225 = tpu.vector_load_idx %arg13[%add3A_171, %broadcast_in_dim3A_220] : memref<512x32xf32, #tpu.memory_space<vmem>>[vector<16xi32>, vector<16xi32>], vector<16xf32>,
      %mul3A_226 = arith.mulf %gather3A_221, %gather3A_225 : vector<16xf32>
      %add3A_227 = arith.addf %add3A_218, %mul3A_226 : vector<16xf32>
      %broadcast_in_dim3A_228 = arith.constant 6 : i32
      %broadcast_in_dim3A_229 = vector.broadcast %broadcast_in_dim3A_228 : i32 to vector<16xi32>
      %gather3A_230 = tpu.vector_load_idx %arg11[%add3A_171, %broadcast_in_dim3A_229] : memref<512x32xf32, #tpu.memory_space<vmem>>[vector<16xi32>, vector<16xi32>], vector<16xf32>,
      %gather3A_231 = tpu.vector_load_idx %arg12[%add3A_171, %broadcast_in_dim3A_229] : memref<512x32xf32, #tpu.memory_space<vmem>>[vector<16xi32>, vector<16xi32>], vector<16xf32>,
      %mul3A_232 = arith.mulf %gather3A_230, %gather3A_231 : vector<16xf32>
      %add3A_233 = arith.addf %add3A_224, %mul3A_232 : vector<16xf32>
      %gather3A_234 = tpu.vector_load_idx %arg13[%add3A_171, %broadcast_in_dim3A_229] : memref<512x32xf32, #tpu.memory_space<vmem>>[vector<16xi32>, vector<16xi32>], vector<16xf32>,
      %mul3A_235 = arith.mulf %gather3A_230, %gather3A_234 : vector<16xf32>
      %add3A_236 = arith.addf %add3A_227, %mul3A_235 : vector<16xf32>
      %broadcast_in_dim3A_237 = arith.constant 7 : i32
      %broadcast_in_dim3A_238 = vector.broadcast %broadcast_in_dim3A_237 : i32 to vector<16xi32>
      %gather3A_239 = tpu.vector_load_idx %arg11[%add3A_171, %broadcast_in_dim3A_238] : memref<512x32xf32, #tpu.memory_space<vmem>>[vector<16xi32>, vector<16xi32>], vector<16xf32>,
      %gather3A_240 = tpu.vector_load_idx %arg12[%add3A_171, %broadcast_in_dim3A_238] : memref<512x32xf32, #tpu.memory_space<vmem>>[vector<16xi32>, vector<16xi32>], vector<16xf32>,
      %mul3A_241 = arith.mulf %gather3A_239, %gather3A_240 : vector<16xf32>
      %add3A_242 = arith.addf %add3A_233, %mul3A_241 : vector<16xf32>
      %gather3A_243 = tpu.vector_load_idx %arg13[%add3A_171, %broadcast_in_dim3A_238] : memref<512x32xf32, #tpu.memory_space<vmem>>[vector<16xi32>, vector<16xi32>], vector<16xf32>,
      %mul3A_244 = arith.mulf %gather3A_239, %gather3A_243 : vector<16xf32>
      %add3A_245 = arith.addf %add3A_236, %mul3A_244 : vector<16xf32>
      %broadcast_in_dim3A_246 = arith.constant 8 : i32
      %broadcast_in_dim3A_247 = vector.broadcast %broadcast_in_dim3A_246 : i32 to vector<16xi32>
      %gather3A_248 = tpu.vector_load_idx %arg11[%add3A_171, %broadcast_in_dim3A_247] : memref<512x32xf32, #tpu.memory_space<vmem>>[vector<16xi32>, vector<16xi32>], vector<16xf32>,
      %gather3A_249 = tpu.vector_load_idx %arg12[%add3A_171, %broadcast_in_dim3A_247] : memref<512x32xf32, #tpu.memory_space<vmem>>[vector<16xi32>, vector<16xi32>], vector<16xf32>,
      %mul3A_250 = arith.mulf %gather3A_248, %gather3A_249 : vector<16xf32>
      %add3A_251 = arith.addf %add3A_242, %mul3A_250 : vector<16xf32>
      %gather3A_252 = tpu.vector_load_idx %arg13[%add3A_171, %broadcast_in_dim3A_247] : memref<512x32xf32, #tpu.memory_space<vmem>>[vector<16xi32>, vector<16xi32>], vector<16xf32>,
      %mul3A_253 = arith.mulf %gather3A_248, %gather3A_252 : vector<16xf32>
      %add3A_254 = arith.addf %add3A_245, %mul3A_253 : vector<16xf32>
      %broadcast_in_dim3A_255 = arith.constant 9 : i32
      %broadcast_in_dim3A_256 = vector.broadcast %broadcast_in_dim3A_255 : i32 to vector<16xi32>
      %gather3A_257 = tpu.vector_load_idx %arg11[%add3A_171, %broadcast_in_dim3A_256] : memref<512x32xf32, #tpu.memory_space<vmem>>[vector<16xi32>, vector<16xi32>], vector<16xf32>,
      %gather3A_258 = tpu.vector_load_idx %arg12[%add3A_171, %broadcast_in_dim3A_256] : memref<512x32xf32, #tpu.memory_space<vmem>>[vector<16xi32>, vector<16xi32>], vector<16xf32>,
      %mul3A_259 = arith.mulf %gather3A_257, %gather3A_258 : vector<16xf32>
      %add3A_260 = arith.addf %add3A_251, %mul3A_259 : vector<16xf32>
      %gather3A_261 = tpu.vector_load_idx %arg13[%add3A_171, %broadcast_in_dim3A_256] : memref<512x32xf32, #tpu.memory_space<vmem>>[vector<16xi32>, vector<16xi32>], vector<16xf32>,
      %mul3A_262 = arith.mulf %gather3A_257, %gather3A_261 : vector<16xf32>
      %add3A_263 = arith.addf %add3A_254, %mul3A_262 : vector<16xf32>
      %broadcast_in_dim3A_264 = arith.constant 10 : i32
      %broadcast_in_dim3A_265 = vector.broadcast %broadcast_in_dim3A_264 : i32 to vector<16xi32>
      %gather3A_266 = tpu.vector_load_idx %arg11[%add3A_171, %broadcast_in_dim3A_265] : memref<512x32xf32, #tpu.memory_space<vmem>>[vector<16xi32>, vector<16xi32>], vector<16xf32>,
      %gather3A_267 = tpu.vector_load_idx %arg12[%add3A_171, %broadcast_in_dim3A_265] : memref<512x32xf32, #tpu.memory_space<vmem>>[vector<16xi32>, vector<16xi32>], vector<16xf32>,
      %mul3A_268 = arith.mulf %gather3A_266, %gather3A_267 : vector<16xf32>
      %add3A_269 = arith.addf %add3A_260, %mul3A_268 : vector<16xf32>
      %gather3A_270 = tpu.vector_load_idx %arg13[%add3A_171, %broadcast_in_dim3A_265] : memref<512x32xf32, #tpu.memory_space<vmem>>[vector<16xi32>, vector<16xi32>], vector<16xf32>,
      %mul3A_271 = arith.mulf %gather3A_266, %gather3A_270 : vector<16xf32>
      %add3A_272 = arith.addf %add3A_263, %mul3A_271 : vector<16xf32>
      %broadcast_in_dim3A_273 = arith.constant 11 : i32
      %broadcast_in_dim3A_274 = vector.broadcast %broadcast_in_dim3A_273 : i32 to vector<16xi32>
      %gather3A_275 = tpu.vector_load_idx %arg11[%add3A_171, %broadcast_in_dim3A_274] : memref<512x32xf32, #tpu.memory_space<vmem>>[vector<16xi32>, vector<16xi32>], vector<16xf32>,
      %gather3A_276 = tpu.vector_load_idx %arg12[%add3A_171, %broadcast_in_dim3A_274] : memref<512x32xf32, #tpu.memory_space<vmem>>[vector<16xi32>, vector<16xi32>], vector<16xf32>,
      %mul3A_277 = arith.mulf %gather3A_275, %gather3A_276 : vector<16xf32>
      %add3A_278 = arith.addf %add3A_269, %mul3A_277 : vector<16xf32>
      %gather3A_279 = tpu.vector_load_idx %arg13[%add3A_171, %broadcast_in_dim3A_274] : memref<512x32xf32, #tpu.memory_space<vmem>>[vector<16xi32>, vector<16xi32>], vector<16xf32>,
      %mul3A_280 = arith.mulf %gather3A_275, %gather3A_279 : vector<16xf32>
      %add3A_281 = arith.addf %add3A_272, %mul3A_280 : vector<16xf32>
      %broadcast_in_dim3A_282 = arith.constant 12 : i32
      %broadcast_in_dim3A_283 = vector.broadcast %broadcast_in_dim3A_282 : i32 to vector<16xi32>
      %gather3A_284 = tpu.vector_load_idx %arg11[%add3A_171, %broadcast_in_dim3A_283] : memref<512x32xf32, #tpu.memory_space<vmem>>[vector<16xi32>, vector<16xi32>], vector<16xf32>,
      %gather3A_285 = tpu.vector_load_idx %arg12[%add3A_171, %broadcast_in_dim3A_283] : memref<512x32xf32, #tpu.memory_space<vmem>>[vector<16xi32>, vector<16xi32>], vector<16xf32>,
      %mul3A_286 = arith.mulf %gather3A_284, %gather3A_285 : vector<16xf32>
      %add3A_287 = arith.addf %add3A_278, %mul3A_286 : vector<16xf32>
      %gather3A_288 = tpu.vector_load_idx %arg13[%add3A_171, %broadcast_in_dim3A_283] : memref<512x32xf32, #tpu.memory_space<vmem>>[vector<16xi32>, vector<16xi32>], vector<16xf32>,
      %mul3A_289 = arith.mulf %gather3A_284, %gather3A_288 : vector<16xf32>
      %add3A_290 = arith.addf %add3A_281, %mul3A_289 : vector<16xf32>
      %broadcast_in_dim3A_291 = arith.constant 13 : i32
      %broadcast_in_dim3A_292 = vector.broadcast %broadcast_in_dim3A_291 : i32 to vector<16xi32>
      %gather3A_293 = tpu.vector_load_idx %arg11[%add3A_171, %broadcast_in_dim3A_292] : memref<512x32xf32, #tpu.memory_space<vmem>>[vector<16xi32>, vector<16xi32>], vector<16xf32>,
      %gather3A_294 = tpu.vector_load_idx %arg12[%add3A_171, %broadcast_in_dim3A_292] : memref<512x32xf32, #tpu.memory_space<vmem>>[vector<16xi32>, vector<16xi32>], vector<16xf32>,
      %mul3A_295 = arith.mulf %gather3A_293, %gather3A_294 : vector<16xf32>
      %add3A_296 = arith.addf %add3A_287, %mul3A_295 : vector<16xf32>
      %gather3A_297 = tpu.vector_load_idx %arg13[%add3A_171, %broadcast_in_dim3A_292] : memref<512x32xf32, #tpu.memory_space<vmem>>[vector<16xi32>, vector<16xi32>], vector<16xf32>,
      %mul3A_298 = arith.mulf %gather3A_293, %gather3A_297 : vector<16xf32>
      %add3A_299 = arith.addf %add3A_290, %mul3A_298 : vector<16xf32>
      %broadcast_in_dim3A_300 = arith.constant 14 : i32
      %broadcast_in_dim3A_301 = vector.broadcast %broadcast_in_dim3A_300 : i32 to vector<16xi32>
      %gather3A_302 = tpu.vector_load_idx %arg11[%add3A_171, %broadcast_in_dim3A_301] : memref<512x32xf32, #tpu.memory_space<vmem>>[vector<16xi32>, vector<16xi32>], vector<16xf32>,
      %gather3A_303 = tpu.vector_load_idx %arg12[%add3A_171, %broadcast_in_dim3A_301] : memref<512x32xf32, #tpu.memory_space<vmem>>[vector<16xi32>, vector<16xi32>], vector<16xf32>,
      %mul3A_304 = arith.mulf %gather3A_302, %gather3A_303 : vector<16xf32>
      %add3A_305 = arith.addf %add3A_296, %mul3A_304 : vector<16xf32>
      %gather3A_306 = tpu.vector_load_idx %arg13[%add3A_171, %broadcast_in_dim3A_301] : memref<512x32xf32, #tpu.memory_space<vmem>>[vector<16xi32>, vector<16xi32>], vector<16xf32>,
      %mul3A_307 = arith.mulf %gather3A_302, %gather3A_306 : vector<16xf32>
      %add3A_308 = arith.addf %add3A_299, %mul3A_307 : vector<16xf32>
      %broadcast_in_dim3A_309 = arith.constant 15 : i32
      %broadcast_in_dim3A_310 = vector.broadcast %broadcast_in_dim3A_309 : i32 to vector<16xi32>
      %gather3A_311 = tpu.vector_load_idx %arg11[%add3A_171, %broadcast_in_dim3A_310] : memref<512x32xf32, #tpu.memory_space<vmem>>[vector<16xi32>, vector<16xi32>], vector<16xf32>,
      %gather3A_312 = tpu.vector_load_idx %arg12[%add3A_171, %broadcast_in_dim3A_310] : memref<512x32xf32, #tpu.memory_space<vmem>>[vector<16xi32>, vector<16xi32>], vector<16xf32>,
      %mul3A_313 = arith.mulf %gather3A_311, %gather3A_312 : vector<16xf32>
      %add3A_314 = arith.addf %add3A_305, %mul3A_313 : vector<16xf32>
      %gather3A_315 = tpu.vector_load_idx %arg13[%add3A_171, %broadcast_in_dim3A_310] : memref<512x32xf32, #tpu.memory_space<vmem>>[vector<16xi32>, vector<16xi32>], vector<16xf32>,
      %mul3A_316 = arith.mulf %gather3A_311, %gather3A_315 : vector<16xf32>
      %add3A_317 = arith.addf %add3A_308, %mul3A_316 : vector<16xf32>
      %broadcast_in_dim3A_318 = arith.constant 16 : i32
      %broadcast_in_dim3A_319 = vector.broadcast %broadcast_in_dim3A_318 : i32 to vector<16xi32>
      %gather3A_320 = tpu.vector_load_idx %arg11[%add3A_171, %broadcast_in_dim3A_319] : memref<512x32xf32, #tpu.memory_space<vmem>>[vector<16xi32>, vector<16xi32>], vector<16xf32>,
      %gather3A_321 = tpu.vector_load_idx %arg12[%add3A_171, %broadcast_in_dim3A_319] : memref<512x32xf32, #tpu.memory_space<vmem>>[vector<16xi32>, vector<16xi32>], vector<16xf32>,
      %mul3A_322 = arith.mulf %gather3A_320, %gather3A_321 : vector<16xf32>
      %add3A_323 = arith.addf %add3A_314, %mul3A_322 : vector<16xf32>
      %gather3A_324 = tpu.vector_load_idx %arg13[%add3A_171, %broadcast_in_dim3A_319] : memref<512x32xf32, #tpu.memory_space<vmem>>[vector<16xi32>, vector<16xi32>], vector<16xf32>,
      %mul3A_325 = arith.mulf %gather3A_320, %gather3A_324 : vector<16xf32>
      %add3A_326 = arith.addf %add3A_317, %mul3A_325 : vector<16xf32>
      %broadcast_in_dim3A_327 = arith.constant 17 : i32
      %broadcast_in_dim3A_328 = vector.broadcast %broadcast_in_dim3A_327 : i32 to vector<16xi32>
      %gather3A_329 = tpu.vector_load_idx %arg11[%add3A_171, %broadcast_in_dim3A_328] : memref<512x32xf32, #tpu.memory_space<vmem>>[vector<16xi32>, vector<16xi32>], vector<16xf32>,
      %gather3A_330 = tpu.vector_load_idx %arg12[%add3A_171, %broadcast_in_dim3A_328] : memref<512x32xf32, #tpu.memory_space<vmem>>[vector<16xi32>, vector<16xi32>], vector<16xf32>,
      %mul3A_331 = arith.mulf %gather3A_329, %gather3A_330 : vector<16xf32>
      %add3A_332 = arith.addf %add3A_323, %mul3A_331 : vector<16xf32>
      %gather3A_333 = tpu.vector_load_idx %arg13[%add3A_171, %broadcast_in_dim3A_328] : memref<512x32xf32, #tpu.memory_space<vmem>>[vector<16xi32>, vector<16xi32>], vector<16xf32>,
      %mul3A_334 = arith.mulf %gather3A_329, %gather3A_333 : vector<16xf32>
      %add3A_335 = arith.addf %add3A_326, %mul3A_334 : vector<16xf32>
      %broadcast_in_dim3A_336 = arith.constant 18 : i32
      %broadcast_in_dim3A_337 = vector.broadcast %broadcast_in_dim3A_336 : i32 to vector<16xi32>
      %gather3A_338 = tpu.vector_load_idx %arg11[%add3A_171, %broadcast_in_dim3A_337] : memref<512x32xf32, #tpu.memory_space<vmem>>[vector<16xi32>, vector<16xi32>], vector<16xf32>,
      %gather3A_339 = tpu.vector_load_idx %arg12[%add3A_171, %broadcast_in_dim3A_337] : memref<512x32xf32, #tpu.memory_space<vmem>>[vector<16xi32>, vector<16xi32>], vector<16xf32>,
      %mul3A_340 = arith.mulf %gather3A_338, %gather3A_339 : vector<16xf32>
      %add3A_341 = arith.addf %add3A_332, %mul3A_340 : vector<16xf32>
      %gather3A_342 = tpu.vector_load_idx %arg13[%add3A_171, %broadcast_in_dim3A_337] : memref<512x32xf32, #tpu.memory_space<vmem>>[vector<16xi32>, vector<16xi32>], vector<16xf32>,
      %mul3A_343 = arith.mulf %gather3A_338, %gather3A_342 : vector<16xf32>
      %add3A_344 = arith.addf %add3A_335, %mul3A_343 : vector<16xf32>
      %broadcast_in_dim3A_345 = arith.constant 19 : i32
      %broadcast_in_dim3A_346 = vector.broadcast %broadcast_in_dim3A_345 : i32 to vector<16xi32>
      %gather3A_347 = tpu.vector_load_idx %arg11[%add3A_171, %broadcast_in_dim3A_346] : memref<512x32xf32, #tpu.memory_space<vmem>>[vector<16xi32>, vector<16xi32>], vector<16xf32>,
      %gather3A_348 = tpu.vector_load_idx %arg12[%add3A_171, %broadcast_in_dim3A_346] : memref<512x32xf32, #tpu.memory_space<vmem>>[vector<16xi32>, vector<16xi32>], vector<16xf32>,
      %mul3A_349 = arith.mulf %gather3A_347, %gather3A_348 : vector<16xf32>
      %add3A_350 = arith.addf %add3A_341, %mul3A_349 : vector<16xf32>
      %gather3A_351 = tpu.vector_load_idx %arg13[%add3A_171, %broadcast_in_dim3A_346] : memref<512x32xf32, #tpu.memory_space<vmem>>[vector<16xi32>, vector<16xi32>], vector<16xf32>,
      %mul3A_352 = arith.mulf %gather3A_347, %gather3A_351 : vector<16xf32>
      %add3A_353 = arith.addf %add3A_344, %mul3A_352 : vector<16xf32>
      %broadcast_in_dim3A_354 = arith.constant 20 : i32
      %broadcast_in_dim3A_355 = vector.broadcast %broadcast_in_dim3A_354 : i32 to vector<16xi32>
      %gather3A_356 = tpu.vector_load_idx %arg11[%add3A_171, %broadcast_in_dim3A_355] : memref<512x32xf32, #tpu.memory_space<vmem>>[vector<16xi32>, vector<16xi32>], vector<16xf32>,
      %gather3A_357 = tpu.vector_load_idx %arg12[%add3A_171, %broadcast_in_dim3A_355] : memref<512x32xf32, #tpu.memory_space<vmem>>[vector<16xi32>, vector<16xi32>], vector<16xf32>,
      %mul3A_358 = arith.mulf %gather3A_356, %gather3A_357 : vector<16xf32>
      %add3A_359 = arith.addf %add3A_350, %mul3A_358 : vector<16xf32>
      %gather3A_360 = tpu.vector_load_idx %arg13[%add3A_171, %broadcast_in_dim3A_355] : memref<512x32xf32, #tpu.memory_space<vmem>>[vector<16xi32>, vector<16xi32>], vector<16xf32>,
      %mul3A_361 = arith.mulf %gather3A_356, %gather3A_360 : vector<16xf32>
      %add3A_362 = arith.addf %add3A_353, %mul3A_361 : vector<16xf32>
      %broadcast_in_dim3A_363 = arith.constant 21 : i32
      %broadcast_in_dim3A_364 = vector.broadcast %broadcast_in_dim3A_363 : i32 to vector<16xi32>
      %gather3A_365 = tpu.vector_load_idx %arg11[%add3A_171, %broadcast_in_dim3A_364] : memref<512x32xf32, #tpu.memory_space<vmem>>[vector<16xi32>, vector<16xi32>], vector<16xf32>,
      %gather3A_366 = tpu.vector_load_idx %arg12[%add3A_171, %broadcast_in_dim3A_364] : memref<512x32xf32, #tpu.memory_space<vmem>>[vector<16xi32>, vector<16xi32>], vector<16xf32>,
      %mul3A_367 = arith.mulf %gather3A_365, %gather3A_366 : vector<16xf32>
      %add3A_368 = arith.addf %add3A_359, %mul3A_367 : vector<16xf32>
      %gather3A_369 = tpu.vector_load_idx %arg13[%add3A_171, %broadcast_in_dim3A_364] : memref<512x32xf32, #tpu.memory_space<vmem>>[vector<16xi32>, vector<16xi32>], vector<16xf32>,
      %mul3A_370 = arith.mulf %gather3A_365, %gather3A_369 : vector<16xf32>
      %add3A_371 = arith.addf %add3A_362, %mul3A_370 : vector<16xf32>
      %broadcast_in_dim3A_372 = arith.constant 22 : i32
      %broadcast_in_dim3A_373 = vector.broadcast %broadcast_in_dim3A_372 : i32 to vector<16xi32>
      %gather3A_374 = tpu.vector_load_idx %arg11[%add3A_171, %broadcast_in_dim3A_373] : memref<512x32xf32, #tpu.memory_space<vmem>>[vector<16xi32>, vector<16xi32>], vector<16xf32>,
      %gather3A_375 = tpu.vector_load_idx %arg12[%add3A_171, %broadcast_in_dim3A_373] : memref<512x32xf32, #tpu.memory_space<vmem>>[vector<16xi32>, vector<16xi32>], vector<16xf32>,
      %mul3A_376 = arith.mulf %gather3A_374, %gather3A_375 : vector<16xf32>
      %add3A_377 = arith.addf %add3A_368, %mul3A_376 : vector<16xf32>
      %gather3A_378 = tpu.vector_load_idx %arg13[%add3A_171, %broadcast_in_dim3A_373] : memref<512x32xf32, #tpu.memory_space<vmem>>[vector<16xi32>, vector<16xi32>], vector<16xf32>,
      %mul3A_379 = arith.mulf %gather3A_374, %gather3A_378 : vector<16xf32>
      %add3A_380 = arith.addf %add3A_371, %mul3A_379 : vector<16xf32>
      %broadcast_in_dim3A_381 = arith.constant 23 : i32
      %broadcast_in_dim3A_382 = vector.broadcast %broadcast_in_dim3A_381 : i32 to vector<16xi32>
      %gather3A_383 = tpu.vector_load_idx %arg11[%add3A_171, %broadcast_in_dim3A_382] : memref<512x32xf32, #tpu.memory_space<vmem>>[vector<16xi32>, vector<16xi32>], vector<16xf32>,
      %gather3A_384 = tpu.vector_load_idx %arg12[%add3A_171, %broadcast_in_dim3A_382] : memref<512x32xf32, #tpu.memory_space<vmem>>[vector<16xi32>, vector<16xi32>], vector<16xf32>,
      %mul3A_385 = arith.mulf %gather3A_383, %gather3A_384 : vector<16xf32>
      %add3A_386 = arith.addf %add3A_377, %mul3A_385 : vector<16xf32>
      %gather3A_387 = tpu.vector_load_idx %arg13[%add3A_171, %broadcast_in_dim3A_382] : memref<512x32xf32, #tpu.memory_space<vmem>>[vector<16xi32>, vector<16xi32>], vector<16xf32>,
      %mul3A_388 = arith.mulf %gather3A_383, %gather3A_387 : vector<16xf32>
      %add3A_389 = arith.addf %add3A_380, %mul3A_388 : vector<16xf32>
      %broadcast_in_dim3A_390 = arith.constant 24 : i32
      %broadcast_in_dim3A_391 = vector.broadcast %broadcast_in_dim3A_390 : i32 to vector<16xi32>
      %gather3A_392 = tpu.vector_load_idx %arg11[%add3A_171, %broadcast_in_dim3A_391] : memref<512x32xf32, #tpu.memory_space<vmem>>[vector<16xi32>, vector<16xi32>], vector<16xf32>,
      %gather3A_393 = tpu.vector_load_idx %arg12[%add3A_171, %broadcast_in_dim3A_391] : memref<512x32xf32, #tpu.memory_space<vmem>>[vector<16xi32>, vector<16xi32>], vector<16xf32>,
      %mul3A_394 = arith.mulf %gather3A_392, %gather3A_393 : vector<16xf32>
      %add3A_395 = arith.addf %add3A_386, %mul3A_394 : vector<16xf32>
      %gather3A_396 = tpu.vector_load_idx %arg13[%add3A_171, %broadcast_in_dim3A_391] : memref<512x32xf32, #tpu.memory_space<vmem>>[vector<16xi32>, vector<16xi32>], vector<16xf32>,
      %mul3A_397 = arith.mulf %gather3A_392, %gather3A_396 : vector<16xf32>
      %add3A_398 = arith.addf %add3A_389, %mul3A_397 : vector<16xf32>
      %broadcast_in_dim3A_399 = arith.constant 25 : i32
      %broadcast_in_dim3A_400 = vector.broadcast %broadcast_in_dim3A_399 : i32 to vector<16xi32>
      %gather3A_401 = tpu.vector_load_idx %arg11[%add3A_171, %broadcast_in_dim3A_400] : memref<512x32xf32, #tpu.memory_space<vmem>>[vector<16xi32>, vector<16xi32>], vector<16xf32>,
      %gather3A_402 = tpu.vector_load_idx %arg12[%add3A_171, %broadcast_in_dim3A_400] : memref<512x32xf32, #tpu.memory_space<vmem>>[vector<16xi32>, vector<16xi32>], vector<16xf32>,
      %mul3A_403 = arith.mulf %gather3A_401, %gather3A_402 : vector<16xf32>
      %add3A_404 = arith.addf %add3A_395, %mul3A_403 : vector<16xf32>
      %gather3A_405 = tpu.vector_load_idx %arg13[%add3A_171, %broadcast_in_dim3A_400] : memref<512x32xf32, #tpu.memory_space<vmem>>[vector<16xi32>, vector<16xi32>], vector<16xf32>,
      %mul3A_406 = arith.mulf %gather3A_401, %gather3A_405 : vector<16xf32>
      %add3A_407 = arith.addf %add3A_398, %mul3A_406 : vector<16xf32>
      %broadcast_in_dim3A_408 = arith.constant 26 : i32
      %broadcast_in_dim3A_409 = vector.broadcast %broadcast_in_dim3A_408 : i32 to vector<16xi32>
      %gather3A_410 = tpu.vector_load_idx %arg11[%add3A_171, %broadcast_in_dim3A_409] : memref<512x32xf32, #tpu.memory_space<vmem>>[vector<16xi32>, vector<16xi32>], vector<16xf32>,
      %gather3A_411 = tpu.vector_load_idx %arg12[%add3A_171, %broadcast_in_dim3A_409] : memref<512x32xf32, #tpu.memory_space<vmem>>[vector<16xi32>, vector<16xi32>], vector<16xf32>,
      %mul3A_412 = arith.mulf %gather3A_410, %gather3A_411 : vector<16xf32>
      %add3A_413 = arith.addf %add3A_404, %mul3A_412 : vector<16xf32>
      %gather3A_414 = tpu.vector_load_idx %arg13[%add3A_171, %broadcast_in_dim3A_409] : memref<512x32xf32, #tpu.memory_space<vmem>>[vector<16xi32>, vector<16xi32>], vector<16xf32>,
      %mul3A_415 = arith.mulf %gather3A_410, %gather3A_414 : vector<16xf32>
      %add3A_416 = arith.addf %add3A_407, %mul3A_415 : vector<16xf32>
      %broadcast_in_dim3A_417 = arith.constant 27 : i32
      %broadcast_in_dim3A_418 = vector.broadcast %broadcast_in_dim3A_417 : i32 to vector<16xi32>
      %gather3A_419 = tpu.vector_load_idx %arg11[%add3A_171, %broadcast_in_dim3A_418] : memref<512x32xf32, #tpu.memory_space<vmem>>[vector<16xi32>, vector<16xi32>], vector<16xf32>,
      %gather3A_420 = tpu.vector_load_idx %arg12[%add3A_171, %broadcast_in_dim3A_418] : memref<512x32xf32, #tpu.memory_space<vmem>>[vector<16xi32>, vector<16xi32>], vector<16xf32>,
      %mul3A_421 = arith.mulf %gather3A_419, %gather3A_420 : vector<16xf32>
      %add3A_422 = arith.addf %add3A_413, %mul3A_421 : vector<16xf32>
      %gather3A_423 = tpu.vector_load_idx %arg13[%add3A_171, %broadcast_in_dim3A_418] : memref<512x32xf32, #tpu.memory_space<vmem>>[vector<16xi32>, vector<16xi32>], vector<16xf32>,
      %mul3A_424 = arith.mulf %gather3A_419, %gather3A_423 : vector<16xf32>
      %add3A_425 = arith.addf %add3A_416, %mul3A_424 : vector<16xf32>
      %broadcast_in_dim3A_426 = arith.constant 28 : i32
      %broadcast_in_dim3A_427 = vector.broadcast %broadcast_in_dim3A_426 : i32 to vector<16xi32>
      %gather3A_428 = tpu.vector_load_idx %arg11[%add3A_171, %broadcast_in_dim3A_427] : memref<512x32xf32, #tpu.memory_space<vmem>>[vector<16xi32>, vector<16xi32>], vector<16xf32>,
      %gather3A_429 = tpu.vector_load_idx %arg12[%add3A_171, %broadcast_in_dim3A_427] : memref<512x32xf32, #tpu.memory_space<vmem>>[vector<16xi32>, vector<16xi32>], vector<16xf32>,
      %mul3A_430 = arith.mulf %gather3A_428, %gather3A_429 : vector<16xf32>
      %add3A_431 = arith.addf %add3A_422, %mul3A_430 : vector<16xf32>
      %gather3A_432 = tpu.vector_load_idx %arg13[%add3A_171, %broadcast_in_dim3A_427] : memref<512x32xf32, #tpu.memory_space<vmem>>[vector<16xi32>, vector<16xi32>], vector<16xf32>,
      %mul3A_433 = arith.mulf %gather3A_428, %gather3A_432 : vector<16xf32>
      %add3A_434 = arith.addf %add3A_425, %mul3A_433 : vector<16xf32>
      %broadcast_in_dim3A_435 = arith.constant 29 : i32
      %broadcast_in_dim3A_436 = vector.broadcast %broadcast_in_dim3A_435 : i32 to vector<16xi32>
      %gather3A_437 = tpu.vector_load_idx %arg11[%add3A_171, %broadcast_in_dim3A_436] : memref<512x32xf32, #tpu.memory_space<vmem>>[vector<16xi32>, vector<16xi32>], vector<16xf32>,
      %gather3A_438 = tpu.vector_load_idx %arg12[%add3A_171, %broadcast_in_dim3A_436] : memref<512x32xf32, #tpu.memory_space<vmem>>[vector<16xi32>, vector<16xi32>], vector<16xf32>,
      %mul3A_439 = arith.mulf %gather3A_437, %gather3A_438 : vector<16xf32>
      %add3A_440 = arith.addf %add3A_431, %mul3A_439 : vector<16xf32>
      %gather3A_441 = tpu.vector_load_idx %arg13[%add3A_171, %broadcast_in_dim3A_436] : memref<512x32xf32, #tpu.memory_space<vmem>>[vector<16xi32>, vector<16xi32>], vector<16xf32>,
      %mul3A_442 = arith.mulf %gather3A_437, %gather3A_441 : vector<16xf32>
      %add3A_443 = arith.addf %add3A_434, %mul3A_442 : vector<16xf32>
      %broadcast_in_dim3A_444 = arith.constant 30 : i32
      %broadcast_in_dim3A_445 = vector.broadcast %broadcast_in_dim3A_444 : i32 to vector<16xi32>
      %gather3A_446 = tpu.vector_load_idx %arg11[%add3A_171, %broadcast_in_dim3A_445] : memref<512x32xf32, #tpu.memory_space<vmem>>[vector<16xi32>, vector<16xi32>], vector<16xf32>,
      %gather3A_447 = tpu.vector_load_idx %arg12[%add3A_171, %broadcast_in_dim3A_445] : memref<512x32xf32, #tpu.memory_space<vmem>>[vector<16xi32>, vector<16xi32>], vector<16xf32>,
      %mul3A_448 = arith.mulf %gather3A_446, %gather3A_447 : vector<16xf32>
      %add3A_449 = arith.addf %add3A_440, %mul3A_448 : vector<16xf32>
      %gather3A_450 = tpu.vector_load_idx %arg13[%add3A_171, %broadcast_in_dim3A_445] : memref<512x32xf32, #tpu.memory_space<vmem>>[vector<16xi32>, vector<16xi32>], vector<16xf32>,
      %mul3A_451 = arith.mulf %gather3A_446, %gather3A_450 : vector<16xf32>
      %add3A_452 = arith.addf %add3A_443, %mul3A_451 : vector<16xf32>
      %broadcast_in_dim3A_453 = arith.constant 31 : i32
      %broadcast_in_dim3A_454 = vector.broadcast %broadcast_in_dim3A_453 : i32 to vector<16xi32>
      %gather3A_455 = tpu.vector_load_idx %arg11[%add3A_171, %broadcast_in_dim3A_454] : memref<512x32xf32, #tpu.memory_space<vmem>>[vector<16xi32>, vector<16xi32>], vector<16xf32>,
      %gather3A_456 = tpu.vector_load_idx %arg12[%add3A_171, %broadcast_in_dim3A_454] : memref<512x32xf32, #tpu.memory_space<vmem>>[vector<16xi32>, vector<16xi32>], vector<16xf32>,
      %mul3A_457 = arith.mulf %gather3A_455, %gather3A_456 : vector<16xf32>
      %add3A_458 = arith.addf %add3A_449, %mul3A_457 : vector<16xf32>
      %gather3A_459 = tpu.vector_load_idx %arg13[%add3A_171, %broadcast_in_dim3A_454] : memref<512x32xf32, #tpu.memory_space<vmem>>[vector<16xi32>, vector<16xi32>], vector<16xf32>,
      %mul3A_460 = arith.mulf %gather3A_455, %gather3A_459 : vector<16xf32>
      %add3A_461 = arith.addf %add3A_452, %mul3A_460 : vector<16xf32>
      %get3A = arith.index_cast %mul3A_173 : i32 to index
      %get3A_462 = tpu.vector_load %arg14[%get3A] {strides = array<i32>} : memref<512xf32, #tpu.memory_space<vmem>>, vector<16xf32>,
      %mul3A_463 = vector.broadcast %scan3A_161 : f32 to vector<16xf32>
      %mul3A_464 = arith.mulf %get3A_462, %mul3A_463 : vector<16xf32>
      %add3A_465 = arith.addf %add3A_458, %mul3A_464 : vector<16xf32>
      %swap3A = arith.index_cast %mul3A_173 : i32 to index
      %swap3A_466 = tpu.vector_load %arg15[%swap3A] {strides = array<i32>} : memref<512xf32, #tpu.memory_space<vmem>>, vector<16xf32>,
      tpu.vector_store %arg15[%swap3A], %add3A_465 {strides = array<i32>} : memref<512xf32, #tpu.memory_space<vmem>>, vector<16xf32>,
      %add3A_467 = arith.addf %add3A_461, %mul3A_464 : vector<16xf32>
      %swap3A_468 = arith.index_cast %mul3A_173 : i32 to index
      %swap3A_469 = tpu.vector_load %arg16[%swap3A_468] {strides = array<i32>} : memref<512xf32, #tpu.memory_space<vmem>>, vector<16xf32>,
      tpu.vector_store %arg16[%swap3A_468], %add3A_467 {strides = array<i32>} : memref<512xf32, #tpu.memory_space<vmem>>, vector<16xf32>,
    }
    %scan3A_166 = arith.constant 32 : i32
    "tpu.region"() ({
      %run_scoped3A = tpu.sem_alloc : memref<!tpu.dma_semaphore, #tpu.memory_space<semaphore_mem>>
      %dma_start3A_167 = tpu.memref_slice %arg7[%mul3A_2] : memref<16384xf32, #tpu.memory_space<hbm>> -> memref<512xf32, #tpu.memory_space<hbm>>
      %dma_start3A_168 = tpu.memref_slice %arg7[%mul3A_2] : memref<16384xf32, #tpu.memory_space<hbm>> -> memref<512xf32, #tpu.memory_space<hbm>>
      tpu.enqueue_dma source(%arg15 : memref<512xf32, #tpu.memory_space<vmem>>) target(%dma_start3A_168 : memref<512xf32, #tpu.memory_space<hbm>>) target_semaphore(%run_scoped3A : memref<!tpu.dma_semaphore, #tpu.memory_space<semaphore_mem>>)
      %dma_wait3A_169 = tpu.memref_slice %arg7[%mul3A_2] : memref<16384xf32, #tpu.memory_space<hbm>> -> memref<512xf32, #tpu.memory_space<hbm>>
      %dma_wait3A_170 = tpu.memref_slice %arg7[%mul3A_2] : memref<16384xf32, #tpu.memory_space<hbm>> -> memref<512xf32, #tpu.memory_space<hbm>>
      tpu.wait_dma2 semaphore(%run_scoped3A : memref<!tpu.dma_semaphore, #tpu.memory_space<semaphore_mem>>) src(%arg15 : memref<512xf32, #tpu.memory_space<vmem>>) dst(%dma_wait3A_170 : memref<512xf32, #tpu.memory_space<hbm>>)
      tpu.yield
    }) : () -> ()
    "tpu.region"() ({
      %run_scoped3A = tpu.sem_alloc : memref<!tpu.dma_semaphore, #tpu.memory_space<semaphore_mem>>
      %dma_start3A_167 = tpu.memref_slice %arg8[%mul3A_2] : memref<16384xf32, #tpu.memory_space<hbm>> -> memref<512xf32, #tpu.memory_space<hbm>>
      %dma_start3A_168 = tpu.memref_slice %arg8[%mul3A_2] : memref<16384xf32, #tpu.memory_space<hbm>> -> memref<512xf32, #tpu.memory_space<hbm>>
      tpu.enqueue_dma source(%arg16 : memref<512xf32, #tpu.memory_space<vmem>>) target(%dma_start3A_168 : memref<512xf32, #tpu.memory_space<hbm>>) target_semaphore(%run_scoped3A : memref<!tpu.dma_semaphore, #tpu.memory_space<semaphore_mem>>)
      %dma_wait3A_169 = tpu.memref_slice %arg8[%mul3A_2] : memref<16384xf32, #tpu.memory_space<hbm>> -> memref<512xf32, #tpu.memory_space<hbm>>
      %dma_wait3A_170 = tpu.memref_slice %arg8[%mul3A_2] : memref<16384xf32, #tpu.memory_space<hbm>> -> memref<512xf32, #tpu.memory_space<hbm>>
      tpu.wait_dma2 semaphore(%run_scoped3A : memref<!tpu.dma_semaphore, #tpu.memory_space<semaphore_mem>>) src(%arg16 : memref<512xf32, #tpu.memory_space<vmem>>) dst(%dma_wait3A_170 : memref<512xf32, #tpu.memory_space<hbm>>)
      tpu.yield
    }) : () -> ()
    return
  }
}

#map = affine_map<(d0, d1) -> (0, 0, 0)>
#map1 = affine_map<(d0, d1) -> (0, 0, 0, 0)>
#map2 = affine_map<(d0, d1) -> (0, 0)>
#map3 = affine_map<(d0, d1) -> (0)>
module attributes {stable_mosaic.version = 14 : i64} {
  func.func @run_a(%arg0: i32, %arg1: i32, %arg2: memref<32x4x128xi32, #tpu.memory_space<hbm>>, %arg3: memref<50x32x4x128xi32, #tpu.memory_space<hbm>>, %arg4: memref<100000x32xf32, #tpu.memory_space<hbm>>, %arg5: memref<100000x32xf32, #tpu.memory_space<hbm>>, %arg6: memref<16384x32xf32, #tpu.memory_space<hbm>>, %arg7: memref<16384xf32, #tpu.memory_space<hbm>>, %arg8: memref<4x128xi32, #tpu.memory_space<vmem>>, %arg9: memref<50x4x128xi32, #tpu.memory_space<vmem>>, %arg10: memref<512x32xf32, #tpu.memory_space<vmem>>, %arg11: memref<512x32xf32, #tpu.memory_space<vmem>>, %arg12: memref<512xf32, #tpu.memory_space<vmem>>, %arg13: memref<!tpu.dma_semaphore, #tpu.memory_space<semaphore_mem>>, %arg14: memref<!tpu.dma_semaphore, #tpu.memory_space<semaphore_mem>>) attributes {dimension_semantics = [#tpu.dimension_semantics<core_parallel>, #tpu.dimension_semantics<subcore_parallel>], iteration_bounds = array<i64: 2, 16>, scalar_prefetch = 0 : i64, scratch_operands = 7 : i64, tpu.core_type = #tpu.core_type<sc_vector_subcore>, window_params = [{transform_indices = #map}, {transform_indices = #map1}, {transform_indices = #map2}, {transform_indices = #map2}, {transform_indices = #map2}, {transform_indices = #map3}]} {
    %mul3A = arith.constant 2 : i32
    %mul3A_0 = arith.muli %arg1, %mul3A : i32
    %add3A = arith.addi %mul3A_0, %arg0 : i32
    %iota3A = tpu.iota {dimensions = array<i32: 0>} : vector<16xi32>
    "tpu.region"() ({
      %run_scoped3A = tpu.sem_alloc : memref<!tpu.dma_semaphore, #tpu.memory_space<semaphore_mem>>
      %dma_start3A_186 = arith.constant 0 : i32
      %dma_start3A_187 = arith.constant 0 : i32
      %dma_start3A_188 = tpu.memref_slice %arg2[%add3A, %dma_start3A_186, %dma_start3A_187] : memref<32x4x128xi32, #tpu.memory_space<hbm>> -> memref<1x4x128xi32, #tpu.memory_space<hbm>>
      %dma_start3A_189 = tpu.memref_squeeze %dma_start3A_188 : memref<1x4x128xi32, #tpu.memory_space<hbm>> -> memref<4x128xi32, #tpu.memory_space<hbm>>
      %dma_start3A_190 = arith.constant 0 : i32
      %dma_start3A_191 = arith.constant 0 : i32
      %dma_start3A_192 = tpu.memref_slice %arg2[%add3A, %dma_start3A_190, %dma_start3A_191] : memref<32x4x128xi32, #tpu.memory_space<hbm>> -> memref<1x4x128xi32, #tpu.memory_space<hbm>>
      %dma_start3A_193 = tpu.memref_squeeze %dma_start3A_192 : memref<1x4x128xi32, #tpu.memory_space<hbm>> -> memref<4x128xi32, #tpu.memory_space<hbm>>
      tpu.enqueue_dma source(%dma_start3A_193 : memref<4x128xi32, #tpu.memory_space<hbm>>) target(%arg8 : memref<4x128xi32, #tpu.memory_space<vmem>>) target_semaphore(%run_scoped3A : memref<!tpu.dma_semaphore, #tpu.memory_space<semaphore_mem>>)
      %dma_wait3A_194 = arith.constant 0 : i32
      %dma_wait3A_195 = arith.constant 0 : i32
      %dma_wait3A_196 = tpu.memref_slice %arg2[%add3A, %dma_wait3A_194, %dma_wait3A_195] : memref<32x4x128xi32, #tpu.memory_space<hbm>> -> memref<1x4x128xi32, #tpu.memory_space<hbm>>
      %dma_wait3A_197 = tpu.memref_squeeze %dma_wait3A_196 : memref<1x4x128xi32, #tpu.memory_space<hbm>> -> memref<4x128xi32, #tpu.memory_space<hbm>>
      %dma_wait3A_198 = arith.constant 0 : i32
      %dma_wait3A_199 = arith.constant 0 : i32
      %dma_wait3A_200 = tpu.memref_slice %arg2[%add3A, %dma_wait3A_198, %dma_wait3A_199] : memref<32x4x128xi32, #tpu.memory_space<hbm>> -> memref<1x4x128xi32, #tpu.memory_space<hbm>>
      %dma_wait3A_201 = tpu.memref_squeeze %dma_wait3A_200 : memref<1x4x128xi32, #tpu.memory_space<hbm>> -> memref<4x128xi32, #tpu.memory_space<hbm>>
      tpu.wait_dma2 semaphore(%run_scoped3A : memref<!tpu.dma_semaphore, #tpu.memory_space<semaphore_mem>>) src(%dma_wait3A_201 : memref<4x128xi32, #tpu.memory_space<hbm>>) dst(%arg8 : memref<4x128xi32, #tpu.memory_space<vmem>>)
      tpu.yield
    }) : () -> ()
    "tpu.region"() ({
      %run_scoped3A = tpu.sem_alloc : memref<!tpu.dma_semaphore, #tpu.memory_space<semaphore_mem>>
      %dma_start3A_186 = arith.constant 0 : i32
      %dma_start3A_187 = arith.constant 0 : i32
      %dma_start3A_188 = arith.constant 0 : i32
      %dma_start3A_189 = tpu.memref_slice %arg3[%dma_start3A_186, %add3A, %dma_start3A_187, %dma_start3A_188] : memref<50x32x4x128xi32, #tpu.memory_space<hbm>> -> memref<50x1x4x128xi32, #tpu.memory_space<hbm>>
      %dma_start3A_190 = tpu.memref_squeeze %dma_start3A_189 : memref<50x1x4x128xi32, #tpu.memory_space<hbm>> -> memref<50x4x128xi32, #tpu.memory_space<hbm>>
      %dma_start3A_191 = arith.constant 0 : i32
      %dma_start3A_192 = arith.constant 0 : i32
      %dma_start3A_193 = arith.constant 0 : i32
      %dma_start3A_194 = tpu.memref_slice %arg3[%dma_start3A_191, %add3A, %dma_start3A_192, %dma_start3A_193] : memref<50x32x4x128xi32, #tpu.memory_space<hbm>> -> memref<50x1x4x128xi32, #tpu.memory_space<hbm>>
      %dma_start3A_195 = tpu.memref_squeeze %dma_start3A_194 : memref<50x1x4x128xi32, #tpu.memory_space<hbm>> -> memref<50x4x128xi32, #tpu.memory_space<hbm>>
      tpu.enqueue_dma source(%dma_start3A_195 : memref<50x4x128xi32, #tpu.memory_space<hbm>>) target(%arg9 : memref<50x4x128xi32, #tpu.memory_space<vmem>>) target_semaphore(%run_scoped3A : memref<!tpu.dma_semaphore, #tpu.memory_space<semaphore_mem>>)
      %dma_wait3A_196 = arith.constant 0 : i32
      %dma_wait3A_197 = arith.constant 0 : i32
      %dma_wait3A_198 = arith.constant 0 : i32
      %dma_wait3A_199 = tpu.memref_slice %arg3[%dma_wait3A_196, %add3A, %dma_wait3A_197, %dma_wait3A_198] : memref<50x32x4x128xi32, #tpu.memory_space<hbm>> -> memref<50x1x4x128xi32, #tpu.memory_space<hbm>>
      %dma_wait3A_200 = tpu.memref_squeeze %dma_wait3A_199 : memref<50x1x4x128xi32, #tpu.memory_space<hbm>> -> memref<50x4x128xi32, #tpu.memory_space<hbm>>
      %dma_wait3A_201 = arith.constant 0 : i32
      %dma_wait3A_202 = arith.constant 0 : i32
      %dma_wait3A_203 = arith.constant 0 : i32
      %dma_wait3A_204 = tpu.memref_slice %arg3[%dma_wait3A_201, %add3A, %dma_wait3A_202, %dma_wait3A_203] : memref<50x32x4x128xi32, #tpu.memory_space<hbm>> -> memref<50x1x4x128xi32, #tpu.memory_space<hbm>>
      %dma_wait3A_205 = tpu.memref_squeeze %dma_wait3A_204 : memref<50x1x4x128xi32, #tpu.memory_space<hbm>> -> memref<50x4x128xi32, #tpu.memory_space<hbm>>
      tpu.wait_dma2 semaphore(%run_scoped3A : memref<!tpu.dma_semaphore, #tpu.memory_space<semaphore_mem>>) src(%dma_wait3A_205 : memref<50x4x128xi32, #tpu.memory_space<hbm>>) dst(%arg9 : memref<50x4x128xi32, #tpu.memory_space<vmem>>)
      tpu.yield
    }) : () -> ()
    %dma_start3A = arith.constant 0 : i32
    %dma_start3A_1 = arith.constant 0 : i32
    %dma_start3A_2 = arith.constant 0 : i32
    %dma_start3A_3 = arith.constant 0 : i32
    %dma_start3A_4 = tpu.memref_slice %arg11[%dma_start3A_2, %dma_start3A_3] : memref<512x32xf32, #tpu.memory_space<vmem>> -> memref<128x32xf32, #tpu.memory_space<vmem>>
    %dma_start3A_5 = arith.constant 0 : i32
    %dma_start3A_6 = tpu.memref_slice %arg9[%dma_start3A, %dma_start3A_1, %dma_start3A_5] : memref<50x4x128xi32, #tpu.memory_space<vmem>> -> memref<1x1x128xi32, #tpu.memory_space<vmem>>
    %dma_start3A_7 = tpu.memref_squeeze %dma_start3A_6 : memref<1x1x128xi32, #tpu.memory_space<vmem>> -> memref<128xi32, #tpu.memory_space<vmem>>
    %dma_start3A_8 = arith.constant 0 : i32
    %dma_start3A_9 = arith.constant 0 : i32
    %dma_start3A_10 = tpu.memref_slice %arg5[%dma_start3A_8, %dma_start3A_9] : memref<100000x32xf32, #tpu.memory_space<hbm>> -> memref<100000x32xf32, #tpu.memory_space<hbm>>
    tpu.enqueue_indirect_dma source(%dma_start3A_10 : memref<100000x32xf32, #tpu.memory_space<hbm>>) target(%dma_start3A_4 : memref<128x32xf32, #tpu.memory_space<vmem>>) offsets(%dma_start3A_7 : memref<128xi32, #tpu.memory_space<vmem>>) semaphore(%arg14 : memref<!tpu.dma_semaphore, #tpu.memory_space<semaphore_mem>>)
    %dma_start3A_11 = arith.constant 0 : i32
    %dma_start3A_12 = arith.constant 1 : i32
    %dma_start3A_13 = arith.constant 128 : i32
    %dma_start3A_14 = arith.constant 0 : i32
    %dma_start3A_15 = tpu.memref_slice %arg11[%dma_start3A_13, %dma_start3A_14] : memref<512x32xf32, #tpu.memory_space<vmem>> -> memref<128x32xf32, #tpu.memory_space<vmem>>
    %dma_start3A_16 = arith.constant 0 : i32
    %dma_start3A_17 = tpu.memref_slice %arg9[%dma_start3A_11, %dma_start3A_12, %dma_start3A_16] : memref<50x4x128xi32, #tpu.memory_space<vmem>> -> memref<1x1x128xi32, #tpu.memory_space<vmem>>
    %dma_start3A_18 = tpu.memref_squeeze %dma_start3A_17 : memref<1x1x128xi32, #tpu.memory_space<vmem>> -> memref<128xi32, #tpu.memory_space<vmem>>
    %dma_start3A_19 = arith.constant 0 : i32
    %dma_start3A_20 = arith.constant 0 : i32
    %dma_start3A_21 = tpu.memref_slice %arg5[%dma_start3A_19, %dma_start3A_20] : memref<100000x32xf32, #tpu.memory_space<hbm>> -> memref<100000x32xf32, #tpu.memory_space<hbm>>
    tpu.enqueue_indirect_dma source(%dma_start3A_21 : memref<100000x32xf32, #tpu.memory_space<hbm>>) target(%dma_start3A_15 : memref<128x32xf32, #tpu.memory_space<vmem>>) offsets(%dma_start3A_18 : memref<128xi32, #tpu.memory_space<vmem>>) semaphore(%arg14 : memref<!tpu.dma_semaphore, #tpu.memory_space<semaphore_mem>>)
    %dma_start3A_22 = arith.constant 0 : i32
    %dma_start3A_23 = arith.constant 2 : i32
    %dma_start3A_24 = arith.constant 256 : i32
    %dma_start3A_25 = arith.constant 0 : i32
    %dma_start3A_26 = tpu.memref_slice %arg11[%dma_start3A_24, %dma_start3A_25] : memref<512x32xf32, #tpu.memory_space<vmem>> -> memref<128x32xf32, #tpu.memory_space<vmem>>
    %dma_start3A_27 = arith.constant 0 : i32
    %dma_start3A_28 = tpu.memref_slice %arg9[%dma_start3A_22, %dma_start3A_23, %dma_start3A_27] : memref<50x4x128xi32, #tpu.memory_space<vmem>> -> memref<1x1x128xi32, #tpu.memory_space<vmem>>
    %dma_start3A_29 = tpu.memref_squeeze %dma_start3A_28 : memref<1x1x128xi32, #tpu.memory_space<vmem>> -> memref<128xi32, #tpu.memory_space<vmem>>
    %dma_start3A_30 = arith.constant 0 : i32
    %dma_start3A_31 = arith.constant 0 : i32
    %dma_start3A_32 = tpu.memref_slice %arg5[%dma_start3A_30, %dma_start3A_31] : memref<100000x32xf32, #tpu.memory_space<hbm>> -> memref<100000x32xf32, #tpu.memory_space<hbm>>
    tpu.enqueue_indirect_dma source(%dma_start3A_32 : memref<100000x32xf32, #tpu.memory_space<hbm>>) target(%dma_start3A_26 : memref<128x32xf32, #tpu.memory_space<vmem>>) offsets(%dma_start3A_29 : memref<128xi32, #tpu.memory_space<vmem>>) semaphore(%arg14 : memref<!tpu.dma_semaphore, #tpu.memory_space<semaphore_mem>>)
    %dma_start3A_33 = arith.constant 0 : i32
    %dma_start3A_34 = arith.constant 3 : i32
    %dma_start3A_35 = arith.constant 384 : i32
    %dma_start3A_36 = arith.constant 0 : i32
    %dma_start3A_37 = tpu.memref_slice %arg11[%dma_start3A_35, %dma_start3A_36] : memref<512x32xf32, #tpu.memory_space<vmem>> -> memref<128x32xf32, #tpu.memory_space<vmem>>
    %dma_start3A_38 = arith.constant 0 : i32
    %dma_start3A_39 = tpu.memref_slice %arg9[%dma_start3A_33, %dma_start3A_34, %dma_start3A_38] : memref<50x4x128xi32, #tpu.memory_space<vmem>> -> memref<1x1x128xi32, #tpu.memory_space<vmem>>
    %dma_start3A_40 = tpu.memref_squeeze %dma_start3A_39 : memref<1x1x128xi32, #tpu.memory_space<vmem>> -> memref<128xi32, #tpu.memory_space<vmem>>
    %dma_start3A_41 = arith.constant 0 : i32
    %dma_start3A_42 = arith.constant 0 : i32
    %dma_start3A_43 = tpu.memref_slice %arg5[%dma_start3A_41, %dma_start3A_42] : memref<100000x32xf32, #tpu.memory_space<hbm>> -> memref<100000x32xf32, #tpu.memory_space<hbm>>
    tpu.enqueue_indirect_dma source(%dma_start3A_43 : memref<100000x32xf32, #tpu.memory_space<hbm>>) target(%dma_start3A_37 : memref<128x32xf32, #tpu.memory_space<vmem>>) offsets(%dma_start3A_40 : memref<128xi32, #tpu.memory_space<vmem>>) semaphore(%arg14 : memref<!tpu.dma_semaphore, #tpu.memory_space<semaphore_mem>>)
    %dma_start3A_44 = arith.constant 0 : i32
    %dma_start3A_45 = arith.constant 0 : i32
    %dma_start3A_46 = arith.constant 0 : i32
    %dma_start3A_47 = tpu.memref_slice %arg10[%dma_start3A_45, %dma_start3A_46] : memref<512x32xf32, #tpu.memory_space<vmem>> -> memref<128x32xf32, #tpu.memory_space<vmem>>
    %dma_start3A_48 = arith.constant 0 : i32
    %dma_start3A_49 = tpu.memref_slice %arg8[%dma_start3A_44, %dma_start3A_48] : memref<4x128xi32, #tpu.memory_space<vmem>> -> memref<1x128xi32, #tpu.memory_space<vmem>>
    %dma_start3A_50 = tpu.memref_squeeze %dma_start3A_49 : memref<1x128xi32, #tpu.memory_space<vmem>> -> memref<128xi32, #tpu.memory_space<vmem>>
    %dma_start3A_51 = arith.constant 0 : i32
    %dma_start3A_52 = arith.constant 0 : i32
    %dma_start3A_53 = tpu.memref_slice %arg4[%dma_start3A_51, %dma_start3A_52] : memref<100000x32xf32, #tpu.memory_space<hbm>> -> memref<100000x32xf32, #tpu.memory_space<hbm>>
    tpu.enqueue_indirect_dma source(%dma_start3A_53 : memref<100000x32xf32, #tpu.memory_space<hbm>>) target(%dma_start3A_47 : memref<128x32xf32, #tpu.memory_space<vmem>>) offsets(%dma_start3A_50 : memref<128xi32, #tpu.memory_space<vmem>>) semaphore(%arg13 : memref<!tpu.dma_semaphore, #tpu.memory_space<semaphore_mem>>)
    %dma_start3A_54 = arith.constant 1 : i32
    %dma_start3A_55 = arith.constant 128 : i32
    %dma_start3A_56 = arith.constant 0 : i32
    %dma_start3A_57 = tpu.memref_slice %arg10[%dma_start3A_55, %dma_start3A_56] : memref<512x32xf32, #tpu.memory_space<vmem>> -> memref<128x32xf32, #tpu.memory_space<vmem>>
    %dma_start3A_58 = arith.constant 0 : i32
    %dma_start3A_59 = tpu.memref_slice %arg8[%dma_start3A_54, %dma_start3A_58] : memref<4x128xi32, #tpu.memory_space<vmem>> -> memref<1x128xi32, #tpu.memory_space<vmem>>
    %dma_start3A_60 = tpu.memref_squeeze %dma_start3A_59 : memref<1x128xi32, #tpu.memory_space<vmem>> -> memref<128xi32, #tpu.memory_space<vmem>>
    %dma_start3A_61 = arith.constant 0 : i32
    %dma_start3A_62 = arith.constant 0 : i32
    %dma_start3A_63 = tpu.memref_slice %arg4[%dma_start3A_61, %dma_start3A_62] : memref<100000x32xf32, #tpu.memory_space<hbm>> -> memref<100000x32xf32, #tpu.memory_space<hbm>>
    tpu.enqueue_indirect_dma source(%dma_start3A_63 : memref<100000x32xf32, #tpu.memory_space<hbm>>) target(%dma_start3A_57 : memref<128x32xf32, #tpu.memory_space<vmem>>) offsets(%dma_start3A_60 : memref<128xi32, #tpu.memory_space<vmem>>) semaphore(%arg13 : memref<!tpu.dma_semaphore, #tpu.memory_space<semaphore_mem>>)
    %dma_start3A_64 = arith.constant 2 : i32
    %dma_start3A_65 = arith.constant 256 : i32
    %dma_start3A_66 = arith.constant 0 : i32
    %dma_start3A_67 = tpu.memref_slice %arg10[%dma_start3A_65, %dma_start3A_66] : memref<512x32xf32, #tpu.memory_space<vmem>> -> memref<128x32xf32, #tpu.memory_space<vmem>>
    %dma_start3A_68 = arith.constant 0 : i32
    %dma_start3A_69 = tpu.memref_slice %arg8[%dma_start3A_64, %dma_start3A_68] : memref<4x128xi32, #tpu.memory_space<vmem>> -> memref<1x128xi32, #tpu.memory_space<vmem>>
    %dma_start3A_70 = tpu.memref_squeeze %dma_start3A_69 : memref<1x128xi32, #tpu.memory_space<vmem>> -> memref<128xi32, #tpu.memory_space<vmem>>
    %dma_start3A_71 = arith.constant 0 : i32
    %dma_start3A_72 = arith.constant 0 : i32
    %dma_start3A_73 = tpu.memref_slice %arg4[%dma_start3A_71, %dma_start3A_72] : memref<100000x32xf32, #tpu.memory_space<hbm>> -> memref<100000x32xf32, #tpu.memory_space<hbm>>
    tpu.enqueue_indirect_dma source(%dma_start3A_73 : memref<100000x32xf32, #tpu.memory_space<hbm>>) target(%dma_start3A_67 : memref<128x32xf32, #tpu.memory_space<vmem>>) offsets(%dma_start3A_70 : memref<128xi32, #tpu.memory_space<vmem>>) semaphore(%arg13 : memref<!tpu.dma_semaphore, #tpu.memory_space<semaphore_mem>>)
    %dma_start3A_74 = arith.constant 3 : i32
    %dma_start3A_75 = arith.constant 384 : i32
    %dma_start3A_76 = arith.constant 0 : i32
    %dma_start3A_77 = tpu.memref_slice %arg10[%dma_start3A_75, %dma_start3A_76] : memref<512x32xf32, #tpu.memory_space<vmem>> -> memref<128x32xf32, #tpu.memory_space<vmem>>
    %dma_start3A_78 = arith.constant 0 : i32
    %dma_start3A_79 = tpu.memref_slice %arg8[%dma_start3A_74, %dma_start3A_78] : memref<4x128xi32, #tpu.memory_space<vmem>> -> memref<1x128xi32, #tpu.memory_space<vmem>>
    %dma_start3A_80 = tpu.memref_squeeze %dma_start3A_79 : memref<1x128xi32, #tpu.memory_space<vmem>> -> memref<128xi32, #tpu.memory_space<vmem>>
    %dma_start3A_81 = arith.constant 0 : i32
    %dma_start3A_82 = arith.constant 0 : i32
    %dma_start3A_83 = tpu.memref_slice %arg4[%dma_start3A_81, %dma_start3A_82] : memref<100000x32xf32, #tpu.memory_space<hbm>> -> memref<100000x32xf32, #tpu.memory_space<hbm>>
    tpu.enqueue_indirect_dma source(%dma_start3A_83 : memref<100000x32xf32, #tpu.memory_space<hbm>>) target(%dma_start3A_77 : memref<128x32xf32, #tpu.memory_space<vmem>>) offsets(%dma_start3A_80 : memref<128xi32, #tpu.memory_space<vmem>>) semaphore(%arg13 : memref<!tpu.dma_semaphore, #tpu.memory_space<semaphore_mem>>)
    %dma_wait3A = arith.constant 0 : i32
    %dma_wait3A_84 = arith.constant 0 : i32
    %dma_wait3A_85 = arith.constant 0 : i32
    %dma_wait3A_86 = arith.constant 0 : i32
    %dma_wait3A_87 = tpu.memref_slice %arg11[%dma_wait3A_85, %dma_wait3A_86] : memref<512x32xf32, #tpu.memory_space<vmem>> -> memref<128x32xf32, #tpu.memory_space<vmem>>
    %dma_wait3A_88 = arith.constant 0 : i32
    %dma_wait3A_89 = tpu.memref_slice %arg9[%dma_wait3A, %dma_wait3A_84, %dma_wait3A_88] : memref<50x4x128xi32, #tpu.memory_space<vmem>> -> memref<1x1x128xi32, #tpu.memory_space<vmem>>
    %dma_wait3A_90 = tpu.memref_squeeze %dma_wait3A_89 : memref<1x1x128xi32, #tpu.memory_space<vmem>> -> memref<128xi32, #tpu.memory_space<vmem>>
    %dma_wait3A_91 = arith.constant 0 : i32
    %dma_wait3A_92 = arith.constant 0 : i32
    %dma_wait3A_93 = tpu.memref_slice %arg5[%dma_wait3A_91, %dma_wait3A_92] : memref<100000x32xf32, #tpu.memory_space<hbm>> -> memref<100000x32xf32, #tpu.memory_space<hbm>>
    tpu.wait_indirect_dma semaphore(%arg14 : memref<!tpu.dma_semaphore, #tpu.memory_space<semaphore_mem>>) src(%dma_wait3A_93 : memref<100000x32xf32, #tpu.memory_space<hbm>>) dst(%dma_wait3A_87 : memref<128x32xf32, #tpu.memory_space<vmem>>)
    %dma_wait3A_94 = arith.constant 0 : i32
    %dma_wait3A_95 = arith.constant 1 : i32
    %dma_wait3A_96 = arith.constant 128 : i32
    %dma_wait3A_97 = arith.constant 0 : i32
    %dma_wait3A_98 = tpu.memref_slice %arg11[%dma_wait3A_96, %dma_wait3A_97] : memref<512x32xf32, #tpu.memory_space<vmem>> -> memref<128x32xf32, #tpu.memory_space<vmem>>
    %dma_wait3A_99 = arith.constant 0 : i32
    %dma_wait3A_100 = tpu.memref_slice %arg9[%dma_wait3A_94, %dma_wait3A_95, %dma_wait3A_99] : memref<50x4x128xi32, #tpu.memory_space<vmem>> -> memref<1x1x128xi32, #tpu.memory_space<vmem>>
    %dma_wait3A_101 = tpu.memref_squeeze %dma_wait3A_100 : memref<1x1x128xi32, #tpu.memory_space<vmem>> -> memref<128xi32, #tpu.memory_space<vmem>>
    %dma_wait3A_102 = arith.constant 0 : i32
    %dma_wait3A_103 = arith.constant 0 : i32
    %dma_wait3A_104 = tpu.memref_slice %arg5[%dma_wait3A_102, %dma_wait3A_103] : memref<100000x32xf32, #tpu.memory_space<hbm>> -> memref<100000x32xf32, #tpu.memory_space<hbm>>
    tpu.wait_indirect_dma semaphore(%arg14 : memref<!tpu.dma_semaphore, #tpu.memory_space<semaphore_mem>>) src(%dma_wait3A_104 : memref<100000x32xf32, #tpu.memory_space<hbm>>) dst(%dma_wait3A_98 : memref<128x32xf32, #tpu.memory_space<vmem>>)
    %dma_wait3A_105 = arith.constant 0 : i32
    %dma_wait3A_106 = arith.constant 2 : i32
    %dma_wait3A_107 = arith.constant 256 : i32
    %dma_wait3A_108 = arith.constant 0 : i32
    %dma_wait3A_109 = tpu.memref_slice %arg11[%dma_wait3A_107, %dma_wait3A_108] : memref<512x32xf32, #tpu.memory_space<vmem>> -> memref<128x32xf32, #tpu.memory_space<vmem>>
    %dma_wait3A_110 = arith.constant 0 : i32
    %dma_wait3A_111 = tpu.memref_slice %arg9[%dma_wait3A_105, %dma_wait3A_106, %dma_wait3A_110] : memref<50x4x128xi32, #tpu.memory_space<vmem>> -> memref<1x1x128xi32, #tpu.memory_space<vmem>>
    %dma_wait3A_112 = tpu.memref_squeeze %dma_wait3A_111 : memref<1x1x128xi32, #tpu.memory_space<vmem>> -> memref<128xi32, #tpu.memory_space<vmem>>
    %dma_wait3A_113 = arith.constant 0 : i32
    %dma_wait3A_114 = arith.constant 0 : i32
    %dma_wait3A_115 = tpu.memref_slice %arg5[%dma_wait3A_113, %dma_wait3A_114] : memref<100000x32xf32, #tpu.memory_space<hbm>> -> memref<100000x32xf32, #tpu.memory_space<hbm>>
    tpu.wait_indirect_dma semaphore(%arg14 : memref<!tpu.dma_semaphore, #tpu.memory_space<semaphore_mem>>) src(%dma_wait3A_115 : memref<100000x32xf32, #tpu.memory_space<hbm>>) dst(%dma_wait3A_109 : memref<128x32xf32, #tpu.memory_space<vmem>>)
    %dma_wait3A_116 = arith.constant 0 : i32
    %dma_wait3A_117 = arith.constant 3 : i32
    %dma_wait3A_118 = arith.constant 384 : i32
    %dma_wait3A_119 = arith.constant 0 : i32
    %dma_wait3A_120 = tpu.memref_slice %arg11[%dma_wait3A_118, %dma_wait3A_119] : memref<512x32xf32, #tpu.memory_space<vmem>> -> memref<128x32xf32, #tpu.memory_space<vmem>>
    %dma_wait3A_121 = arith.constant 0 : i32
    %dma_wait3A_122 = tpu.memref_slice %arg9[%dma_wait3A_116, %dma_wait3A_117, %dma_wait3A_121] : memref<50x4x128xi32, #tpu.memory_space<vmem>> -> memref<1x1x128xi32, #tpu.memory_space<vmem>>
    %dma_wait3A_123 = tpu.memref_squeeze %dma_wait3A_122 : memref<1x1x128xi32, #tpu.memory_space<vmem>> -> memref<128xi32, #tpu.memory_space<vmem>>
    %dma_wait3A_124 = arith.constant 0 : i32
    %dma_wait3A_125 = arith.constant 0 : i32
    %dma_wait3A_126 = tpu.memref_slice %arg5[%dma_wait3A_124, %dma_wait3A_125] : memref<100000x32xf32, #tpu.memory_space<hbm>> -> memref<100000x32xf32, #tpu.memory_space<hbm>>
    tpu.wait_indirect_dma semaphore(%arg14 : memref<!tpu.dma_semaphore, #tpu.memory_space<semaphore_mem>>) src(%dma_wait3A_126 : memref<100000x32xf32, #tpu.memory_space<hbm>>) dst(%dma_wait3A_120 : memref<128x32xf32, #tpu.memory_space<vmem>>)
    %scan3A = arith.constant 0 : i32
    %scan3A_127 = arith.constant 1 : i32
    %scan3A_128 = arith.constant 49 : i32
    %scan3A_129 = arith.addi %scan3A_127, %scan3A_128 : i32
    %scan3A_130 = arith.constant 1 : i32
    scf.for %scan3A_186 = %scan3A_127 to %scan3A_129 step %scan3A_130  : i32 {
      %dma_start3A_187 = arith.constant 0 : i32
      %dma_start3A_188 = arith.constant 0 : i32
      %dma_start3A_189 = arith.constant 0 : i32
      %dma_start3A_190 = tpu.memref_slice %arg11[%dma_start3A_188, %dma_start3A_189] : memref<512x32xf32, #tpu.memory_space<vmem>> -> memref<128x32xf32, #tpu.memory_space<vmem>>
      %dma_start3A_191 = arith.constant 0 : i32
      %dma_start3A_192 = tpu.memref_slice %arg9[%scan3A_186, %dma_start3A_187, %dma_start3A_191] : memref<50x4x128xi32, #tpu.memory_space<vmem>> -> memref<1x1x128xi32, #tpu.memory_space<vmem>>
      %dma_start3A_193 = tpu.memref_squeeze %dma_start3A_192 : memref<1x1x128xi32, #tpu.memory_space<vmem>> -> memref<128xi32, #tpu.memory_space<vmem>>
      %dma_start3A_194 = arith.constant 0 : i32
      %dma_start3A_195 = arith.constant 0 : i32
      %dma_start3A_196 = tpu.memref_slice %arg5[%dma_start3A_194, %dma_start3A_195] : memref<100000x32xf32, #tpu.memory_space<hbm>> -> memref<100000x32xf32, #tpu.memory_space<hbm>>
      tpu.enqueue_indirect_dma source(%dma_start3A_196 : memref<100000x32xf32, #tpu.memory_space<hbm>>) target(%dma_start3A_190 : memref<128x32xf32, #tpu.memory_space<vmem>>) offsets(%dma_start3A_193 : memref<128xi32, #tpu.memory_space<vmem>>) semaphore(%arg14 : memref<!tpu.dma_semaphore, #tpu.memory_space<semaphore_mem>>) {add = true}
      %dma_start3A_197 = arith.constant 1 : i32
      %dma_start3A_198 = arith.constant 128 : i32
      %dma_start3A_199 = arith.constant 0 : i32
      %dma_start3A_200 = tpu.memref_slice %arg11[%dma_start3A_198, %dma_start3A_199] : memref<512x32xf32, #tpu.memory_space<vmem>> -> memref<128x32xf32, #tpu.memory_space<vmem>>
      %dma_start3A_201 = arith.constant 0 : i32
      %dma_start3A_202 = tpu.memref_slice %arg9[%scan3A_186, %dma_start3A_197, %dma_start3A_201] : memref<50x4x128xi32, #tpu.memory_space<vmem>> -> memref<1x1x128xi32, #tpu.memory_space<vmem>>
      %dma_start3A_203 = tpu.memref_squeeze %dma_start3A_202 : memref<1x1x128xi32, #tpu.memory_space<vmem>> -> memref<128xi32, #tpu.memory_space<vmem>>
      %dma_start3A_204 = arith.constant 0 : i32
      %dma_start3A_205 = arith.constant 0 : i32
      %dma_start3A_206 = tpu.memref_slice %arg5[%dma_start3A_204, %dma_start3A_205] : memref<100000x32xf32, #tpu.memory_space<hbm>> -> memref<100000x32xf32, #tpu.memory_space<hbm>>
      tpu.enqueue_indirect_dma source(%dma_start3A_206 : memref<100000x32xf32, #tpu.memory_space<hbm>>) target(%dma_start3A_200 : memref<128x32xf32, #tpu.memory_space<vmem>>) offsets(%dma_start3A_203 : memref<128xi32, #tpu.memory_space<vmem>>) semaphore(%arg14 : memref<!tpu.dma_semaphore, #tpu.memory_space<semaphore_mem>>) {add = true}
      %dma_start3A_207 = arith.constant 2 : i32
      %dma_start3A_208 = arith.constant 256 : i32
      %dma_start3A_209 = arith.constant 0 : i32
      %dma_start3A_210 = tpu.memref_slice %arg11[%dma_start3A_208, %dma_start3A_209] : memref<512x32xf32, #tpu.memory_space<vmem>> -> memref<128x32xf32, #tpu.memory_space<vmem>>
      %dma_start3A_211 = arith.constant 0 : i32
      %dma_start3A_212 = tpu.memref_slice %arg9[%scan3A_186, %dma_start3A_207, %dma_start3A_211] : memref<50x4x128xi32, #tpu.memory_space<vmem>> -> memref<1x1x128xi32, #tpu.memory_space<vmem>>
      %dma_start3A_213 = tpu.memref_squeeze %dma_start3A_212 : memref<1x1x128xi32, #tpu.memory_space<vmem>> -> memref<128xi32, #tpu.memory_space<vmem>>
      %dma_start3A_214 = arith.constant 0 : i32
      %dma_start3A_215 = arith.constant 0 : i32
      %dma_start3A_216 = tpu.memref_slice %arg5[%dma_start3A_214, %dma_start3A_215] : memref<100000x32xf32, #tpu.memory_space<hbm>> -> memref<100000x32xf32, #tpu.memory_space<hbm>>
      tpu.enqueue_indirect_dma source(%dma_start3A_216 : memref<100000x32xf32, #tpu.memory_space<hbm>>) target(%dma_start3A_210 : memref<128x32xf32, #tpu.memory_space<vmem>>) offsets(%dma_start3A_213 : memref<128xi32, #tpu.memory_space<vmem>>) semaphore(%arg14 : memref<!tpu.dma_semaphore, #tpu.memory_space<semaphore_mem>>) {add = true}
      %dma_start3A_217 = arith.constant 3 : i32
      %dma_start3A_218 = arith.constant 384 : i32
      %dma_start3A_219 = arith.constant 0 : i32
      %dma_start3A_220 = tpu.memref_slice %arg11[%dma_start3A_218, %dma_start3A_219] : memref<512x32xf32, #tpu.memory_space<vmem>> -> memref<128x32xf32, #tpu.memory_space<vmem>>
      %dma_start3A_221 = arith.constant 0 : i32
      %dma_start3A_222 = tpu.memref_slice %arg9[%scan3A_186, %dma_start3A_217, %dma_start3A_221] : memref<50x4x128xi32, #tpu.memory_space<vmem>> -> memref<1x1x128xi32, #tpu.memory_space<vmem>>
      %dma_start3A_223 = tpu.memref_squeeze %dma_start3A_222 : memref<1x1x128xi32, #tpu.memory_space<vmem>> -> memref<128xi32, #tpu.memory_space<vmem>>
      %dma_start3A_224 = arith.constant 0 : i32
      %dma_start3A_225 = arith.constant 0 : i32
      %dma_start3A_226 = tpu.memref_slice %arg5[%dma_start3A_224, %dma_start3A_225] : memref<100000x32xf32, #tpu.memory_space<hbm>> -> memref<100000x32xf32, #tpu.memory_space<hbm>>
      tpu.enqueue_indirect_dma source(%dma_start3A_226 : memref<100000x32xf32, #tpu.memory_space<hbm>>) target(%dma_start3A_220 : memref<128x32xf32, #tpu.memory_space<vmem>>) offsets(%dma_start3A_223 : memref<128xi32, #tpu.memory_space<vmem>>) semaphore(%arg14 : memref<!tpu.dma_semaphore, #tpu.memory_space<semaphore_mem>>) {add = true}
    }
    %scan3A_131 = arith.constant 49 : i32
    %scan3A_132 = arith.constant 0 : i32
    %scan3A_133 = arith.constant 1 : i32
    %scan3A_134 = arith.constant 49 : i32
    %scan3A_135 = arith.addi %scan3A_133, %scan3A_134 : i32
    %scan3A_136 = arith.constant 1 : i32
    scf.for %scan3A_186 = %scan3A_133 to %scan3A_135 step %scan3A_136  : i32 {
      %dma_wait3A_187 = arith.constant 0 : i32
      %dma_wait3A_188 = arith.constant 0 : i32
      %dma_wait3A_189 = arith.constant 0 : i32
      %dma_wait3A_190 = tpu.memref_slice %arg11[%dma_wait3A_188, %dma_wait3A_189] : memref<512x32xf32, #tpu.memory_space<vmem>> -> memref<128x32xf32, #tpu.memory_space<vmem>>
      %dma_wait3A_191 = arith.constant 0 : i32
      %dma_wait3A_192 = tpu.memref_slice %arg9[%scan3A_186, %dma_wait3A_187, %dma_wait3A_191] : memref<50x4x128xi32, #tpu.memory_space<vmem>> -> memref<1x1x128xi32, #tpu.memory_space<vmem>>
      %dma_wait3A_193 = tpu.memref_squeeze %dma_wait3A_192 : memref<1x1x128xi32, #tpu.memory_space<vmem>> -> memref<128xi32, #tpu.memory_space<vmem>>
      %dma_wait3A_194 = arith.constant 0 : i32
      %dma_wait3A_195 = arith.constant 0 : i32
      %dma_wait3A_196 = tpu.memref_slice %arg5[%dma_wait3A_194, %dma_wait3A_195] : memref<100000x32xf32, #tpu.memory_space<hbm>> -> memref<100000x32xf32, #tpu.memory_space<hbm>>
      tpu.wait_indirect_dma semaphore(%arg14 : memref<!tpu.dma_semaphore, #tpu.memory_space<semaphore_mem>>) src(%dma_wait3A_196 : memref<100000x32xf32, #tpu.memory_space<hbm>>) dst(%dma_wait3A_190 : memref<128x32xf32, #tpu.memory_space<vmem>>)
      %dma_wait3A_197 = arith.constant 1 : i32
      %dma_wait3A_198 = arith.constant 128 : i32
      %dma_wait3A_199 = arith.constant 0 : i32
      %dma_wait3A_200 = tpu.memref_slice %arg11[%dma_wait3A_198, %dma_wait3A_199] : memref<512x32xf32, #tpu.memory_space<vmem>> -> memref<128x32xf32, #tpu.memory_space<vmem>>
      %dma_wait3A_201 = arith.constant 0 : i32
      %dma_wait3A_202 = tpu.memref_slice %arg9[%scan3A_186, %dma_wait3A_197, %dma_wait3A_201] : memref<50x4x128xi32, #tpu.memory_space<vmem>> -> memref<1x1x128xi32, #tpu.memory_space<vmem>>
      %dma_wait3A_203 = tpu.memref_squeeze %dma_wait3A_202 : memref<1x1x128xi32, #tpu.memory_space<vmem>> -> memref<128xi32, #tpu.memory_space<vmem>>
      %dma_wait3A_204 = arith.constant 0 : i32
      %dma_wait3A_205 = arith.constant 0 : i32
      %dma_wait3A_206 = tpu.memref_slice %arg5[%dma_wait3A_204, %dma_wait3A_205] : memref<100000x32xf32, #tpu.memory_space<hbm>> -> memref<100000x32xf32, #tpu.memory_space<hbm>>
      tpu.wait_indirect_dma semaphore(%arg14 : memref<!tpu.dma_semaphore, #tpu.memory_space<semaphore_mem>>) src(%dma_wait3A_206 : memref<100000x32xf32, #tpu.memory_space<hbm>>) dst(%dma_wait3A_200 : memref<128x32xf32, #tpu.memory_space<vmem>>)
      %dma_wait3A_207 = arith.constant 2 : i32
      %dma_wait3A_208 = arith.constant 256 : i32
      %dma_wait3A_209 = arith.constant 0 : i32
      %dma_wait3A_210 = tpu.memref_slice %arg11[%dma_wait3A_208, %dma_wait3A_209] : memref<512x32xf32, #tpu.memory_space<vmem>> -> memref<128x32xf32, #tpu.memory_space<vmem>>
      %dma_wait3A_211 = arith.constant 0 : i32
      %dma_wait3A_212 = tpu.memref_slice %arg9[%scan3A_186, %dma_wait3A_207, %dma_wait3A_211] : memref<50x4x128xi32, #tpu.memory_space<vmem>> -> memref<1x1x128xi32, #tpu.memory_space<vmem>>
      %dma_wait3A_213 = tpu.memref_squeeze %dma_wait3A_212 : memref<1x1x128xi32, #tpu.memory_space<vmem>> -> memref<128xi32, #tpu.memory_space<vmem>>
      %dma_wait3A_214 = arith.constant 0 : i32
      %dma_wait3A_215 = arith.constant 0 : i32
      %dma_wait3A_216 = tpu.memref_slice %arg5[%dma_wait3A_214, %dma_wait3A_215] : memref<100000x32xf32, #tpu.memory_space<hbm>> -> memref<100000x32xf32, #tpu.memory_space<hbm>>
      tpu.wait_indirect_dma semaphore(%arg14 : memref<!tpu.dma_semaphore, #tpu.memory_space<semaphore_mem>>) src(%dma_wait3A_216 : memref<100000x32xf32, #tpu.memory_space<hbm>>) dst(%dma_wait3A_210 : memref<128x32xf32, #tpu.memory_space<vmem>>)
      %dma_wait3A_217 = arith.constant 3 : i32
      %dma_wait3A_218 = arith.constant 384 : i32
      %dma_wait3A_219 = arith.constant 0 : i32
      %dma_wait3A_220 = tpu.memref_slice %arg11[%dma_wait3A_218, %dma_wait3A_219] : memref<512x32xf32, #tpu.memory_space<vmem>> -> memref<128x32xf32, #tpu.memory_space<vmem>>
      %dma_wait3A_221 = arith.constant 0 : i32
      %dma_wait3A_222 = tpu.memref_slice %arg9[%scan3A_186, %dma_wait3A_217, %dma_wait3A_221] : memref<50x4x128xi32, #tpu.memory_space<vmem>> -> memref<1x1x128xi32, #tpu.memory_space<vmem>>
      %dma_wait3A_223 = tpu.memref_squeeze %dma_wait3A_222 : memref<1x1x128xi32, #tpu.memory_space<vmem>> -> memref<128xi32, #tpu.memory_space<vmem>>
      %dma_wait3A_224 = arith.constant 0 : i32
      %dma_wait3A_225 = arith.constant 0 : i32
      %dma_wait3A_226 = tpu.memref_slice %arg5[%dma_wait3A_224, %dma_wait3A_225] : memref<100000x32xf32, #tpu.memory_space<hbm>> -> memref<100000x32xf32, #tpu.memory_space<hbm>>
      tpu.wait_indirect_dma semaphore(%arg14 : memref<!tpu.dma_semaphore, #tpu.memory_space<semaphore_mem>>) src(%dma_wait3A_226 : memref<100000x32xf32, #tpu.memory_space<hbm>>) dst(%dma_wait3A_220 : memref<128x32xf32, #tpu.memory_space<vmem>>)
    }
    %scan3A_137 = arith.constant 49 : i32
    %dma_wait3A_138 = arith.constant 0 : i32
    %dma_wait3A_139 = arith.constant 0 : i32
    %dma_wait3A_140 = arith.constant 0 : i32
    %dma_wait3A_141 = tpu.memref_slice %arg10[%dma_wait3A_139, %dma_wait3A_140] : memref<512x32xf32, #tpu.memory_space<vmem>> -> memref<128x32xf32, #tpu.memory_space<vmem>>
    %dma_wait3A_142 = arith.constant 0 : i32
    %dma_wait3A_143 = tpu.memref_slice %arg8[%dma_wait3A_138, %dma_wait3A_142] : memref<4x128xi32, #tpu.memory_space<vmem>> -> memref<1x128xi32, #tpu.memory_space<vmem>>
    %dma_wait3A_144 = tpu.memref_squeeze %dma_wait3A_143 : memref<1x128xi32, #tpu.memory_space<vmem>> -> memref<128xi32, #tpu.memory_space<vmem>>
    %dma_wait3A_145 = arith.constant 0 : i32
    %dma_wait3A_146 = arith.constant 0 : i32
    %dma_wait3A_147 = tpu.memref_slice %arg4[%dma_wait3A_145, %dma_wait3A_146] : memref<100000x32xf32, #tpu.memory_space<hbm>> -> memref<100000x32xf32, #tpu.memory_space<hbm>>
    tpu.wait_indirect_dma semaphore(%arg13 : memref<!tpu.dma_semaphore, #tpu.memory_space<semaphore_mem>>) src(%dma_wait3A_147 : memref<100000x32xf32, #tpu.memory_space<hbm>>) dst(%dma_wait3A_141 : memref<128x32xf32, #tpu.memory_space<vmem>>)
    %dma_wait3A_148 = arith.constant 1 : i32
    %dma_wait3A_149 = arith.constant 128 : i32
    %dma_wait3A_150 = arith.constant 0 : i32
    %dma_wait3A_151 = tpu.memref_slice %arg10[%dma_wait3A_149, %dma_wait3A_150] : memref<512x32xf32, #tpu.memory_space<vmem>> -> memref<128x32xf32, #tpu.memory_space<vmem>>
    %dma_wait3A_152 = arith.constant 0 : i32
    %dma_wait3A_153 = tpu.memref_slice %arg8[%dma_wait3A_148, %dma_wait3A_152] : memref<4x128xi32, #tpu.memory_space<vmem>> -> memref<1x128xi32, #tpu.memory_space<vmem>>
    %dma_wait3A_154 = tpu.memref_squeeze %dma_wait3A_153 : memref<1x128xi32, #tpu.memory_space<vmem>> -> memref<128xi32, #tpu.memory_space<vmem>>
    %dma_wait3A_155 = arith.constant 0 : i32
    %dma_wait3A_156 = arith.constant 0 : i32
    %dma_wait3A_157 = tpu.memref_slice %arg4[%dma_wait3A_155, %dma_wait3A_156] : memref<100000x32xf32, #tpu.memory_space<hbm>> -> memref<100000x32xf32, #tpu.memory_space<hbm>>
    tpu.wait_indirect_dma semaphore(%arg13 : memref<!tpu.dma_semaphore, #tpu.memory_space<semaphore_mem>>) src(%dma_wait3A_157 : memref<100000x32xf32, #tpu.memory_space<hbm>>) dst(%dma_wait3A_151 : memref<128x32xf32, #tpu.memory_space<vmem>>)
    %dma_wait3A_158 = arith.constant 2 : i32
    %dma_wait3A_159 = arith.constant 256 : i32
    %dma_wait3A_160 = arith.constant 0 : i32
    %dma_wait3A_161 = tpu.memref_slice %arg10[%dma_wait3A_159, %dma_wait3A_160] : memref<512x32xf32, #tpu.memory_space<vmem>> -> memref<128x32xf32, #tpu.memory_space<vmem>>
    %dma_wait3A_162 = arith.constant 0 : i32
    %dma_wait3A_163 = tpu.memref_slice %arg8[%dma_wait3A_158, %dma_wait3A_162] : memref<4x128xi32, #tpu.memory_space<vmem>> -> memref<1x128xi32, #tpu.memory_space<vmem>>
    %dma_wait3A_164 = tpu.memref_squeeze %dma_wait3A_163 : memref<1x128xi32, #tpu.memory_space<vmem>> -> memref<128xi32, #tpu.memory_space<vmem>>
    %dma_wait3A_165 = arith.constant 0 : i32
    %dma_wait3A_166 = arith.constant 0 : i32
    %dma_wait3A_167 = tpu.memref_slice %arg4[%dma_wait3A_165, %dma_wait3A_166] : memref<100000x32xf32, #tpu.memory_space<hbm>> -> memref<100000x32xf32, #tpu.memory_space<hbm>>
    tpu.wait_indirect_dma semaphore(%arg13 : memref<!tpu.dma_semaphore, #tpu.memory_space<semaphore_mem>>) src(%dma_wait3A_167 : memref<100000x32xf32, #tpu.memory_space<hbm>>) dst(%dma_wait3A_161 : memref<128x32xf32, #tpu.memory_space<vmem>>)
    %dma_wait3A_168 = arith.constant 3 : i32
    %dma_wait3A_169 = arith.constant 384 : i32
    %dma_wait3A_170 = arith.constant 0 : i32
    %dma_wait3A_171 = tpu.memref_slice %arg10[%dma_wait3A_169, %dma_wait3A_170] : memref<512x32xf32, #tpu.memory_space<vmem>> -> memref<128x32xf32, #tpu.memory_space<vmem>>
    %dma_wait3A_172 = arith.constant 0 : i32
    %dma_wait3A_173 = tpu.memref_slice %arg8[%dma_wait3A_168, %dma_wait3A_172] : memref<4x128xi32, #tpu.memory_space<vmem>> -> memref<1x128xi32, #tpu.memory_space<vmem>>
    %dma_wait3A_174 = tpu.memref_squeeze %dma_wait3A_173 : memref<1x128xi32, #tpu.memory_space<vmem>> -> memref<128xi32, #tpu.memory_space<vmem>>
    %dma_wait3A_175 = arith.constant 0 : i32
    %dma_wait3A_176 = arith.constant 0 : i32
    %dma_wait3A_177 = tpu.memref_slice %arg4[%dma_wait3A_175, %dma_wait3A_176] : memref<100000x32xf32, #tpu.memory_space<hbm>> -> memref<100000x32xf32, #tpu.memory_space<hbm>>
    tpu.wait_indirect_dma semaphore(%arg13 : memref<!tpu.dma_semaphore, #tpu.memory_space<semaphore_mem>>) src(%dma_wait3A_177 : memref<100000x32xf32, #tpu.memory_space<hbm>>) dst(%dma_wait3A_171 : memref<128x32xf32, #tpu.memory_space<vmem>>)
    %scan3A_178 = arith.constant 0 : i32
    %scan3A_179 = arith.constant 0 : i32
    %scan3A_180 = arith.constant 32 : i32
    %scan3A_181 = arith.addi %scan3A_179, %scan3A_180 : i32
    %scan3A_182 = arith.constant 1 : i32
    scf.for %scan3A_186 = %scan3A_179 to %scan3A_181 step %scan3A_182  : i32 {
      %mul3A_187 = arith.constant 16 : i32
      %mul3A_188 = arith.muli %scan3A_186, %mul3A_187 : i32
      %add3A_189 = vector.broadcast %mul3A_188 : i32 to vector<16xi32>
      %add3A_190 = arith.addi %add3A_189, %iota3A : vector<16xi32>
      %broadcast_in_dim3A = arith.constant 0.000000e+00 : f32
      %broadcast_in_dim3A_191 = vector.broadcast %broadcast_in_dim3A : f32 to vector<16xf32>
      %scan3A_192 = arith.constant 0 : i32
      %scan3A_193 = arith.constant 32 : i32
      %scan3A_194 = arith.addi %scan3A_192, %scan3A_193 : i32
      %scan3A_195 = arith.constant 1 : i32
      %scan3A_196 = scf.for %scan3A_201 = %scan3A_192 to %scan3A_194 step %scan3A_195 iter_args(%scan3A_202 = %broadcast_in_dim3A_191) -> (vector<16xf32>)  : i32 {
        %broadcast_in_dim3A_203 = vector.broadcast %scan3A_201 : i32 to vector<16xi32>
        %gather3A = tpu.vector_load_idx %arg10[%add3A_190, %broadcast_in_dim3A_203] : memref<512x32xf32, #tpu.memory_space<vmem>>[vector<16xi32>, vector<16xi32>], vector<16xf32>,
        %gather3A_204 = tpu.vector_load_idx %arg11[%add3A_190, %broadcast_in_dim3A_203] : memref<512x32xf32, #tpu.memory_space<vmem>>[vector<16xi32>, vector<16xi32>], vector<16xf32>,
        %mul3A_205 = arith.mulf %gather3A, %gather3A_204 : vector<16xf32>
        %add3A_206 = arith.addf %scan3A_202, %mul3A_205 : vector<16xf32>
        scf.yield %add3A_206 : vector<16xf32>
      }
      %scan3A_197 = arith.constant 32 : i32
      %mul3A_198 = arith.constant 16 : i32
      %mul3A_199 = arith.muli %scan3A_186, %mul3A_198 : i32
      %swap3A = arith.index_cast %mul3A_199 : i32 to index
      %swap3A_200 = tpu.vector_load %arg12[%swap3A] {strides = array<i32>} : memref<512xf32, #tpu.memory_space<vmem>>, vector<16xf32>,
      tpu.vector_store %arg12[%swap3A], %scan3A_196 {strides = array<i32>} : memref<512xf32, #tpu.memory_space<vmem>>, vector<16xf32>,
    }
    %scan3A_183 = arith.constant 32 : i32
    %mul3A_184 = arith.constant 512 : i32
    %mul3A_185 = arith.muli %add3A, %mul3A_184 : i32
    "tpu.region"() ({
      %run_scoped3A = tpu.sem_alloc : memref<!tpu.dma_semaphore, #tpu.memory_space<semaphore_mem>>
      %dma_start3A_186 = arith.constant 0 : i32
      %dma_start3A_187 = tpu.memref_slice %arg6[%mul3A_185, %dma_start3A_186] : memref<16384x32xf32, #tpu.memory_space<hbm>> -> memref<512x32xf32, #tpu.memory_space<hbm>>
      %dma_start3A_188 = arith.constant 0 : i32
      %dma_start3A_189 = tpu.memref_slice %arg6[%mul3A_185, %dma_start3A_188] : memref<16384x32xf32, #tpu.memory_space<hbm>> -> memref<512x32xf32, #tpu.memory_space<hbm>>
      tpu.enqueue_dma source(%arg10 : memref<512x32xf32, #tpu.memory_space<vmem>>) target(%dma_start3A_189 : memref<512x32xf32, #tpu.memory_space<hbm>>) target_semaphore(%run_scoped3A : memref<!tpu.dma_semaphore, #tpu.memory_space<semaphore_mem>>)
      %dma_wait3A_190 = arith.constant 0 : i32
      %dma_wait3A_191 = tpu.memref_slice %arg6[%mul3A_185, %dma_wait3A_190] : memref<16384x32xf32, #tpu.memory_space<hbm>> -> memref<512x32xf32, #tpu.memory_space<hbm>>
      %dma_wait3A_192 = arith.constant 0 : i32
      %dma_wait3A_193 = tpu.memref_slice %arg6[%mul3A_185, %dma_wait3A_192] : memref<16384x32xf32, #tpu.memory_space<hbm>> -> memref<512x32xf32, #tpu.memory_space<hbm>>
      tpu.wait_dma2 semaphore(%run_scoped3A : memref<!tpu.dma_semaphore, #tpu.memory_space<semaphore_mem>>) src(%arg10 : memref<512x32xf32, #tpu.memory_space<vmem>>) dst(%dma_wait3A_193 : memref<512x32xf32, #tpu.memory_space<hbm>>)
      tpu.yield
    }) : () -> ()
    "tpu.region"() ({
      %run_scoped3A = tpu.sem_alloc : memref<!tpu.dma_semaphore, #tpu.memory_space<semaphore_mem>>
      %dma_start3A_186 = tpu.memref_slice %arg7[%mul3A_185] : memref<16384xf32, #tpu.memory_space<hbm>> -> memref<512xf32, #tpu.memory_space<hbm>>
      %dma_start3A_187 = tpu.memref_slice %arg7[%mul3A_185] : memref<16384xf32, #tpu.memory_space<hbm>> -> memref<512xf32, #tpu.memory_space<hbm>>
      tpu.enqueue_dma source(%arg12 : memref<512xf32, #tpu.memory_space<vmem>>) target(%dma_start3A_187 : memref<512xf32, #tpu.memory_space<hbm>>) target_semaphore(%run_scoped3A : memref<!tpu.dma_semaphore, #tpu.memory_space<semaphore_mem>>)
      %dma_wait3A_188 = tpu.memref_slice %arg7[%mul3A_185] : memref<16384xf32, #tpu.memory_space<hbm>> -> memref<512xf32, #tpu.memory_space<hbm>>
      %dma_wait3A_189 = tpu.memref_slice %arg7[%mul3A_185] : memref<16384xf32, #tpu.memory_space<hbm>> -> memref<512xf32, #tpu.memory_space<hbm>>
      tpu.wait_dma2 semaphore(%run_scoped3A : memref<!tpu.dma_semaphore, #tpu.memory_space<semaphore_mem>>) src(%arg12 : memref<512xf32, #tpu.memory_space<vmem>>) dst(%dma_wait3A_189 : memref<512xf32, #tpu.memory_space<hbm>>)
      tpu.yield
    }) : () -> ()
    return
  }
}

</mosaic_0001>

<sc_bundles>
// kernel: kernel.4.cloned.1.call-start
scs
__scs_entry_jumppad:
0x0: {  	(pc) =	sbr.rel $0x88, $3  }
0x1: {  	(tag) =	ssettag $0x0;
	lr =	simm.s32 $0x1  }
0x2: {  	[smem:$0x3F9A] =	sst lr;
	_ =	strace $0xD0000000  }
0x3: {  	_ = 	snop  }
0x4: {  	_ = 	snop  }
0x5: {  	_ = 	snop  }
0x6: {  	_ = 	snop  }
0x7: {  	_ = 	snop  }
__scs_overlays_trampoline_lowered:
0x8: {  	[smem:$0x3FA9] =	sst s0  }
0x9: {  	[smem:$0x3FAA] =	sst s1  }
0xa: {  	[smem:$0x3FAB] =	sst s2  }
0xb: {  	[smem:$0x3FAC] =	sst s3  }
0xc: {  	[smem:$0x3FAD] =	sst s4  }
0xd: {  	[smem:$0x3FAE] =	sst s5  }
0xe: {  	[smem:$0x3FAF] =	sst s6  }
0xf: {  	[smem:$0x3FB0] =	sst s7  }
0x10: {  	[smem:$0x3FB1] =	sst s8  }
0x11: {  	[smem:$0x3FB2] =	sst s9;
	s0 =	simm.s32 @!p0 $0x0  }
0x12: {  	s1 =	sld [smem:$0x3F98];
	s0 =	simm.s32 @p0 $0x1  }
0x13: {  	[smem:$0x3FB3] =	sst s0;
	s0 =	simm.s32 @!p1 $0x0  }
0x14: {  	s2 =	sld [smem:$0x3F97];
	s0 =	simm.s32 @p1 $0x1  }
0x15: {  	[smem:$0x3FB4] =	sst s0;
	s0 =	simm.s32 @!p2 $0x0  }
0x16: {  	s3 =	sld [smem:$0x3FDB];
	s0 =	simm.s32 @p2 $0x1  }
0x17: {  	s4 =	simm.s32 $0x1BF5;
	[smem:$0x3FB6] =	sst s0  }
0x18: {  	s0 =	sld [smem:$0x3F99];
	_ =	swait.ge [sflag:s4], $0x0  }
0x19: {  	s7 =	sld [smem:$0x3F9A]  }
0x1a: {  	s8 =	sadd.s32 $0xFFFFE003, lr  }
0x1b: {  	s9 =	sadd.s32 $0xFFFFFEF7, lr;
	s5 =	simm.s32 $0xFFFFFFFF;
	p2 =	slt.u32 s8, $0xFFFFF086  }
0x1c: {  	p1 =	slt.u32 s9, $0xF7A;
	s5 =	simm.s32 @!p2 $0x0  }
0x1d: {  	s5 =	simm.s32 @p1 $0x1;
	p0 =	seq.s32 s7, s2  }
0x1e: {  	s7 =	smul.u32 @!p0 $0xF7A, s2;
	p2 =	seq.s32 @!p0 s5, $0x0  }
0x1f: {  	s9 =	smul.u32 $0xF7A, s1;
	s8 =	simm.s32 @!p0 $0x1BF5;
	p2 =	por !p2, p0  }
0x20: {  	[sflag:s8] =	ssyncset.s32 @!p0 $0xFFFFF086;
	s6 =	sadd.s32 @!p0 s3, s7;
	s7 =	simm.s32 @!p0 $0x108  }
0x21: {  	s3 =	sadd.s32 s3, s9;
	s6 =	sadd.s32 @!p0 $0x88, s6;
	s7 =	simm.s32 @p2 $0x1082  }
0x22: {  	[simem:s7], [sflag:s8] =	dma.local @!p0 [hbm:s6], $0xF7A  }
0x23: {  	s9 =	sor.u32 $0xD0000000, s2;
	s6 =	simm.s32 $0x108;
	_ =	swait.ge @!p0 [sflag:s8], $0x0  }
0x24: {  	s3 =	sadd.s32 $0x88, s3;
	s6 =	simm.s32 @!p1 $0x1082;
	[sflag:s4] =	ssyncset.s32 $0xFFFFF086  }
0x25: {  	[simem:s6], [sflag:s4] =	dma.local [hbm:s3], $0xF7A  }
0x26: {  	[smem:$0x3F9A] =	sst s1;
	(tag) =	ssettag s2;
	_ =	strace s9  }
0x27: {  	s1 =	sld [smem:$0x3FAA]  }
0x28: {  	s2 =	sld [smem:$0x3FAB]  }
0x29: {  	s4 =	sld [smem:$0x3FAD]  }
0x2a: {  	p0 =	seq.s32 s5, $0x0;
	s5 =	sld [smem:$0x3FAE]  }
0x2b: {  	s6 =	sld [smem:$0x3FAF]  }
0x2c: {  	s7 =	sld [smem:$0x3FB0]  }
0x2d: {  	s3 =	simm.s32 $0x108;
	s8 =	sld [smem:$0x3FB1]  }
0x2e: {  	s3 =	simm.s32 @!p0 $0x1082;
	s9 =	sld [smem:$0x3FB2]  }
0x2f: {  	lr =	sadd.s32 s0, s3;
	s0 =	sld [smem:$0x3FA9]  }
0x30: {  	s3 =	sld [smem:$0x3FAC]  }
0x31: {  	[smem:$0x3FB5] =	sst s10  }
0x32: {  	s10 =	sld [smem:$0x3FB3];
	_ =	sdelay $0x3  }
0x33: {  	p0 =	seq.s32 s10, $0x1;
	s10 =	sld [smem:$0x3FB5];
	_ =	sdelay $0x3  }
0x34: {  	[smem:$0x3FB5] =	sst s10  }
0x35: {  	s10 =	sld [smem:$0x3FB4];
	_ =	sdelay $0x3  }
0x36: {  	p1 =	seq.s32 s10, $0x1;
	s10 =	sld [smem:$0x3FB5];
	_ =	sdelay $0x3  }
0x37: {  	[smem:$0x3FB5] =	sst s10  }
0x38: {  	s10 =	sld [smem:$0x3FB6]  }
0x39: {  	_ = 	snop;
	(pc) =	sbr.ind lr, $3  }
0x3a: {  	_ = 	snop  }
0x3b: {  	_ = 	snop  }
0x3c: {  	p2 =	seq.s32 s10, $0x1;
	s10 =	sld [smem:$0x3FB5]  }
0x3d: {  	_ =	shalt  }
0x3e: {  	_ =	shalt  }
0x3f: {  	_ =	shalt  }
0x40: {  	_ =	shalt  }
0x41: {  	_ =	shalt  }
0x42: {  	_ =	shalt  }
0x43: {  	_ =	shalt  }
0x44: {  	_ =	shalt  }
0x45: {  	_ =	shalt  }
0x46: {  	_ =	shalt  }
0x47: {  	_ =	shalt  }
0x48: {  	_ =	shalt  }
0x49: {  	_ =	shalt  }
0x4a: {  	_ =	shalt  }
0x4b: {  	_ =	shalt  }
0x4c: {  	_ =	shalt  }
0x4d: {  	_ =	shalt  }
0x4e: {  	_ =	shalt  }
0x4f: {  	_ =	shalt  }
0x50: {  	_ =	shalt  }
0x51: {  	_ =	shalt  }
0x52: {  	_ =	shalt  }
0x53: {  	_ =	shalt  }
0x54: {  	_ =	shalt  }
0x55: {  	_ =	shalt  }
0x56: {  	_ =	shalt  }
0x57: {  	_ =	shalt  }
0x58: {  	_ =	shalt  }
0x59: {  	_ =	shalt  }
0x5a: {  	_ =	shalt  }
0x5b: {  	_ =	shalt  }
0x5c: {  	_ =	shalt  }
0x5d: {  	_ =	shalt  }
0x5e: {  	_ =	shalt  }
0x5f: {  	_ =	shalt  }
0x60: {  	_ =	shalt  }
0x61: {  	_ =	shalt  }
0x62: {  	_ =	shalt  }
0x63: {  	_ =	shalt  }
0x64: {  	_ =	shalt  }
0x65: {  	_ =	shalt  }
0x66: {  	_ =	shalt  }
0x67: {  	_ =	shalt  }
0x68: {  	_ =	shalt  }
0x69: {  	_ =	shalt  }
0x6a: {  	_ =	shalt  }
0x6b: {  	_ =	shalt  }
0x6c: {  	_ =	shalt  }
0x6d: {  	_ =	shalt  }
0x6e: {  	_ =	shalt  }
0x6f: {  	_ =	shalt  }
0x70: {  	_ =	shalt  }
0x71: {  	_ =	shalt  }
0x72: {  	_ =	shalt  }
0x73: {  	_ =	shalt  }
0x74: {  	_ =	shalt  }
0x75: {  	_ =	shalt  }
0x76: {  	_ =	shalt  }
0x77: {  	_ =	shalt  }
0x78: {  	_ =	shalt  }
0x79: {  	_ =	shalt  }
0x7a: {  	_ =	shalt  }
0x7b: {  	_ =	shalt  }
0x7c: {  	_ =	shalt  }
0x7d: {  	_ =	shalt  }
0x7e: {  	_ =	shalt  }
0x7f: {  	_ =	shalt  }
0x80: {  	_ =	shalt  }
0x81: {  	_ =	shalt  }
0x82: {  	_ =	shalt  }
0x83: {  	_ =	shalt  }
0x84: {  	_ =	shalt  }
0x85: {  	_ =	shalt  }
0x86: {  	_ =	shalt  }
0x87: {  	_ =	shalt  }
.Lfunc_end0:
.L_simem_size_0:
called_computation_lowered:
.L_overlay_start_0:
0x88: {  	s2 =	sld [smem:$0x3FD9]  }
0x89: {  	s3 =	sld [smem:$0x3FFE];
	_ =	sdelay $0x1  }
0x8a: {  	s1 =	srdreg.scid  }
0x8b: {  	s0 =	sand.u32 $0x1, s1  }
0x8c: {  	s17 =	sshll.u32 s0, $0xA;
	s2 =	sadd.s32 s3, s2  }
0x8d: {  	s2 =	sadd.s32 s2, s17  }
0x8e: {  	[smem:$0x3FC1] =	sst s2  }
0x8f: {  	_ = 	snop  }
0x90: {  	s2 =	sld [smem:$0x3FC9];
	(tm) =	ssettm $0x1  }
0x91: {  	s18 =	sld [smem:$0x3FFB];
	_ =	sdelay $0x3  }
0x92: {  	_ =	strace s18  }
0x93: {  	s3 =	sld [smem:$0x3FFC];
	_ =	sdelay $0x3  }
0x94: {  	_ =	strace s3  }
0x95: {  	s3 =	sld [smem:$0x3FFD];
	_ =	sdelay $0x3  }
0x96: {  	_ =	strace s3  }
0x97: {  	_ =	strace $0x8FFFFFFF  }
0x98: {  	s19 =	sld [smem:$0x3FDB];
	_ =	sdelay $0x1  }
0x99: {  	s4 =	simm.s32 $_scs_section_size  }
0x9a: {  	s5 =	simm.s32 $_size__tile_overlayer_lowered;
	s6 =	simm.s32 $_tile_overlayer_lowered  }
0x9b: {  	s22 =	simm.s32 $0x1BFF;
	s21 =	sshll.u32 s6, $0x1;
	s3 =	sadd.s32 s4, s19  }
0x9c: {  	s7 =	simm.s32 $0x0;
	s20 =	sshll.u32 s5, $0x1;
	s5 =	sadd.s32 s21, s3  }
0x9d: {  	[timem:s7], [sflag:s22] =	dma.local [hbm:s5], s20  }
0x9e: {  	_ =	swait.ge [sflag:s22], s20  }
0x9f: {  	s4 =	ssub.s32 $0x0, s20;
	[sflag:s22] =	ssyncset.done $0x0  }
0xa0: {  	[sflag:s22] =	ssyncadd.s32 s4;
	_ =	sdelay $0x1  }
0xa1: {  	s23 =	simm.s32 $0x1B8B  }
0xa2: {  	_ =	swait.ge [sflag:s23], $0x1  }
0xa3: {  	[sflag:s23] =	ssyncset.done $0x0  }
0xa4: {  	s25 =	simm.s32 $0x1B8E;
	s24 =	sld [smem:$0x3FFE];
	[sflag:s23] =	ssyncadd.s32 $0xFFFFFFFF  }
0xa5: {  	s26 =	simm.s32 $execute0_lowered;
	[smem:$0x3FD2] =	sst s25  }
0xa6: {  	s5 =	sshll.u32 s26, $0x1;
	_ =	strace $0x80000046;
	[dreg:$0x1] =	wrdreg $0xFFFFFFFF  }
0xa7: {  	s28 =	simm.s32 $_size_execute0_lowered;
	s3 =	sadd.s32 s3, s5;
	[dreg:$0x0] =	wrdreg $0x0  }
0xa8: {  	s5 =	sshll.u32 s28, $0x1;
	[dreg:$0x2] =	wrdreg s3  }
0xa9: {  	[dreg:$0x3] =	wrdreg s5  }
0xaa: {  	[dreg:$0x4] =	wrdreg $0xC0  }
0xab: {  	_ =	task [dreg:s7], $0x5FFFF  }
0xac: {  	[dreg:$0x1] =	wrdreg $0xFFFFFFFF  }
0xad: {  	[dreg:$0x0] =	wrdreg $0x60  }
0xae: {  	[dreg:$0x2] =	wrdreg s2  }
0xaf: {  	[dreg:$0x3] =	wrdreg s24  }
0xb0: {  	[dreg:$0x4] =	wrdreg $0x9  }
0xb1: {  	_ =	task.clear_ibuf [dreg:s7], $0x5FFFF;
	_ =	strace $0x90000046  }
0xb2: {  	s29 =	simm.s32 $0x9;
	_ =	strace $0x80000048  }
0xb3: {  	_ =	swait.ge [sflag:s29], $0x1  }
0xb4: {  	[sflag:s29] =	ssyncadd.s32 $0xFFFFFFFF  }
0xb5: {  	_ =	strace $0x90000048  }
0xb6: {  	_ =	sfence  }
0xb7: {  	s30 =	sld [smem:$0x0];
	_ =	sdelay $0x2  }
0xb8: {  	s31 =	sshll.u32 s1, $0xD;
	s1 =	sshrl.u32 s1, $0x2  }
0xb9: {  	s3 =	sand.u32 $0x4000, s31;
	s1 =	sadd.s32 s1, s30  }
0xba: {  	s0 =	sor.u32 s3, s0;
	s1 =	sshll.u32 s1, $0x11  }
0xbb: {  	s0 =	sor.u32 s1, s0  }
0xbc: {  	s0 =	sadd.s32 $0x8F2B, s0  }
0xbd: {  	[sflag:s0] =	ssyncadd.remote.s32 $0x1  }
0xbe: {  	_ =	sfence.sel $0xFFFF  }
0xbf: {  	[dreg:$0x0] =	wrdreg $0xFFFFFFFF;
	(pc) =	sbr.abs _section_cstart, $3  }
0xc0: {  	[dreg:$0x1] =	wrdreg $0xFFFFFFFF  }
0xc1: {  	_ =	task.clear_ibuf [dreg:s7], $0x2FFFF;
	_ =	strace $0x9FFFFFFF  }
0xc2: {  	(tm) =	ssettm $0x7FFFFFFF  }
0xc3: {  	_ =	shalt  }
tec
execute0_lowered:
.L_overlay_start_1:
0x0: {  	(tag) =	ssettag $0x1  }
0x1: {  	s0 =	rddreg [dreg:$0x0]  }
0x2: {  	s1 =	rddreg [dreg:$0x1];
	s2 =	simm.s32 $0x0;
	s3 =	srdreg.scid  }
0x3: {  	s4 =	stileid.u32;
	s10 =	simm.s32 $0x3;
	s12 =	simm.s32 $0x200  }
0x4: {  	s13 =	simm.s32 $0x80;
	s14 =	simm.s32 $0xA600;
	s16 =	simm.s32 $0xB600  }
0x5: {  	s18 =	simm.s32 $0xC600;
	s19 =	simm.s32 $0x380;
	s20 =	simm.s32 $0xD600  }
0x6: {  	s21 =	simm.s32 $0x6600;
	s22 =	simm.s32 $0x7600;
	s23 =	simm.s32 $0x100  }
0x7: {  	s24 =	simm.s32 $0x8600;
	s25 =	simm.s32 $0x180;
	s26 =	simm.s32 $0x9600  }
0x8: {  	s28 =	simm.s32 $0x2;
	s29 =	simm.s32 $0x1;
	s30 =	simm.s32 $0xE600  }
0x9: {  	s31 =	simm.s32 $0x0;
	[smem:$0x7FF] =	sst s2;
	s5 =	sand.u32 $0x1, s3  }
0xa: {  	s6 =	sshll.u32 s4, $0xA;
	s3 =	sadd.s32 $0x1A1A00, s1;
	s7 =	sshll.u32 s5, $0x9  }
0xb: {  	s4 =	sadd.s32 $0x203600, s1;
	s5 =	ssub.s32 $0x2, s5;
	s6 =	sor.u32 s7, s6  }
0xc: {  	_ =	strace $0x80000047;
	s8 =	sshrl.u32 s5, $0x1;
	s7 =	sshll.u32 s6, $0x2  }
0xd: {  	s6 =	sshrl.u32 s6, $0x3;
	s9 =	ssub.s32 s5, s8;
	s7 =	sadd.s32 s7, s1  }
0xe: {  	v0 =	vlaneseq.u32;
	s1 =	sadd.s32 s6, s1;
	s5 =	sadd.s32 s0, s6;
	s9 =	smax.u32 s9, $0x1  }
0xf: {  	v0 =	vmul.u32 $0x20, v0;
	s6 =	sadd.s32 $0x2000, s1;
	s7 =	sadd.s32 $0x1B000, s7;
	s8 =	sadd.s32 $0x2B000, s1  }
.LBB2_1:
0x10: {  	[tilespmem:s2], [sflag:$0x3] =	stream.linear.gather [hbm4b:s5+s2], $0x200, $0x38;
	[tilespmem:$0xE800] =	vst v63  }
0x11: {  	_ =	swait.ge [sflag:s10], $0x200  }
0x12: {  	[sflag:s10] =	ssyncset.done $0x0  }
0x13: {  	s0 =	simm.s32 $0x4000;
	[sflag:s10] =	ssyncadd.s32 $0xFFFFFE00  }
0x14: {  	[tilespmem:s12], [sflag:$0x3] =	stream.strided.gather [hbm4b:s6+s12], $0x6400, s0, s12, $0x38;
	[tilespmem:$0xE800] =	vst v63  }
0x15: {  	_ =	swait.ge [sflag:s10], $0x6400  }
0x16: {  	[sflag:s10] =	ssyncset.done $0x0  }
0x17: {  	[sflag:s10] =	ssyncadd.s32 $0xFFFF9C00  }
0x18: {  	[tilespmem:s14], [sflag:$0x2] =	stream.indirect.gather [hbm4b:s4+s13], $0x20, s12, s13, $0xb8;
	[tilespmem:$0xE800] =	vst v63  }
0x19: {  	s17 =	simm.s32 $0x280  }
0x1a: {  	[tilespmem:s16], [sflag:$0x2] =	stream.indirect.gather [hbm4b:s4+s13], $0x20, s17, s13, $0xb8;
	[tilespmem:$0xE800] =	vst v63  }
0x1b: {  	s1 =	simm.s32 $0x300  }
0x1c: {  	[tilespmem:s18], [sflag:$0x2] =	stream.indirect.gather [hbm4b:s4+s13], $0x20, s1, s13, $0xb8;
	[tilespmem:$0xE800] =	vst v63  }
0x1d: {  	_ = 	snop  }
0x1e: {  	[tilespmem:s20], [sflag:$0x2] =	stream.indirect.gather [hbm4b:s4+s13], $0x20, s19, s13, $0xb8;
	[tilespmem:$0xE800] =	vst v63  }
0x1f: {  	_ = 	snop  }
0x20: {  	[tilespmem:s21], [sflag:$0x1] =	stream.indirect.gather [hbm4b:s3+s13], $0x20, s2, s13, $0xb8;
	[tilespmem:$0xE800] =	vst v63  }
0x21: {  	_ = 	snop  }
0x22: {  	[tilespmem:s22], [sflag:$0x1] =	stream.indirect.gather [hbm4b:s3+s13], $0x20, s13, s13, $0xb8;
	[tilespmem:$0xE800] =	vst v63  }
0x23: {  	_ = 	snop  }
0x24: {  	[tilespmem:s24], [sflag:$0x1] =	stream.indirect.gather [hbm4b:s3+s13], $0x20, s23, s13, $0xb8;
	[tilespmem:$0xE800] =	vst v63  }
0x25: {  	_ = 	snop  }
0x26: {  	[tilespmem:s26], [sflag:$0x1] =	stream.indirect.gather [hbm4b:s3+s13], $0x20, s25, s13, $0xb8;
	[tilespmem:$0xE800] =	vst v63  }
0x27: {  	_ =	swait.ge [sflag:s28], $0x1000  }
0x28: {  	[sflag:s28] =	ssyncset.done $0x0  }
0x29: {  	[sflag:s28] =	ssyncadd.s32 $0xFFFFF000  }
0x2a: {  	_ =	swait.ge [sflag:s28], $0x1000  }
0x2b: {  	[sflag:s28] =	ssyncset.done $0x0  }
0x2c: {  	[sflag:s28] =	ssyncadd.s32 $0xFFFFF000  }
0x2d: {  	_ =	swait.ge [sflag:s28], $0x1000  }
0x2e: {  	[sflag:s28] =	ssyncset.done $0x0  }
0x2f: {  	[sflag:s28] =	ssyncadd.s32 $0xFFFFF000  }
0x30: {  	_ =	swait.ge [sflag:s28], $0x1000  }
0x31: {  	[sflag:s28] =	ssyncset.done $0x0  }
0x32: {  	s11 =	simm.s32 $0x400;
	[sflag:s28] =	ssyncadd.s32 $0xFFFFF000  }
0x33: {  	[tilespmem:s14], [sflag:$0x2] =	stream.indirect.gather.add.f32 [hbm:s4], $0x20, s11, s13, $0xb8;
	[tilespmem:$0xE800] =	vst v63  }
0x34: {  	s15 =	simm.s32 $0x480;
	s0 =	simm.s32 $0xFFFFA000  }
0x35: {  	[tilespmem:s16], [sflag:$0x2] =	stream.indirect.gather.add.f32 [hbm:s4], $0x20, s15, s13, $0xb8;
	[tilespmem:$0xE800] =	vst v63  }
0x36: {  	s17 =	simm.s32 $0x500;
	s1 =	simm.s32 $0xFFFE8800;
	s11 =	simm.s32 $0x580  }
0x37: {  	[tilespmem:s18], [sflag:$0x2] =	stream.indirect.gather.add.f32 [hbm:s4], $0x20, s17, s13, $0xb8;
	[tilespmem:$0xE800] =	vst v63  }
.LBB2_2:
0x38: {  	[tilespmem:s20], [sflag:$0x2] =	stream.indirect.gather.add.f32 [hbm:s4], $0x20, s11, s13, $0xb8;
	[tilespmem:$0xE800] =	vst v63  }
0x39: {  	s11 =	smov.u32 s1;
	s17 =	sadd.s32 $0x800, s1  }
0x3a: {  	p0 =	sne.s32 s1, $0xFFFFF800;
	s15 =	sshra.s32 s11, $0x2;
	s11 =	sadd.s32 $0x6600, s0  }
0x3b: {  	[tilespmem:s14], [sflag:$0x2] =	stream.indirect.gather.add.f32 [hbm:s4], $0x20, s11, s13, $0xb8;
	[tilespmem:$0xE800] =	vst v63  }
.Ltmp0:
0x3c: {  	s1 =	sadd.s32 $0x6680, s0;
	(pc) =	sbr.rel @p0 .LBB2_2-.Ltmp0, $4  }
0x3d: {  	[tilespmem:s16], [sflag:$0x2] =	stream.indirect.gather.add.f32 [hbm:s4], $0x20, s1, s13, $0xb8;
	[tilespmem:$0xE800] =	vst v63  }
0x3e: {  	s1 =	sadd.s32 $0x6700, s0  }
0x3f: {  	[tilespmem:s18], [sflag:$0x2] =	stream.indirect.gather.add.f32 [hbm:s4], $0x20, s1, s13, $0xb8;
	[tilespmem:$0xE800] =	vst v63  }
0x40: {  	s11 =	sadd.s32 $0x6780, s0;
	s0 =	smov.u32 s15;
	s1 =	smov.u32 s17  }
0x41: {  	[tilespmem:s20], [sflag:$0x2] =	stream.indirect.gather.add.f32 [hbm:s4], $0x20, s11, s13, $0xb8;
	[tilespmem:$0xE800] =	vst v63  }
0x42: {  	s1 =	sadd.s32 $0x6600, s0  }
0x43: {  	[tilespmem:s14], [sflag:$0x2] =	stream.indirect.gather.add.f32 [hbm:s4], $0x20, s1, s13, $0xb8;
	[tilespmem:$0xE800] =	vst v63  }
0x44: {  	s11 =	sadd.s32 $0x6680, s0  }
0x45: {  	[tilespmem:s16], [sflag:$0x2] =	stream.indirect.gather.add.f32 [hbm:s4], $0x20, s11, s13, $0xb8;
	[tilespmem:$0xE800] =	vst v63  }
0x46: {  	s15 =	sadd.s32 $0x6700, s0  }
0x47: {  	[tilespmem:s18], [sflag:$0x2] =	stream.indirect.gather.add.f32 [hbm:s4], $0x20, s15, s13, $0xb8;
	[tilespmem:$0xE800] =	vst v63  }
0x48: {  	s17 =	sadd.s32 $0x6780, s0  }
0x49: {  	[tilespmem:s20], [sflag:$0x2] =	stream.indirect.gather.add.f32 [hbm:s4], $0x20, s17, s13, $0xb8;
	[tilespmem:$0xE800] =	vst v63  }
0x4a: {  	_ =	swait.ge [sflag:s28], $0x1000  }
0x4b: {  	[sflag:s28] =	ssyncset.done $0x0  }
0x4c: {  	[sflag:s28] =	ssyncadd.s32 $0xFFFFF000  }
0x4d: {  	_ =	swait.ge [sflag:s28], $0x1000  }
0x4e: {  	[sflag:s28] =	ssyncset.done $0x0  }
0x4f: {  	[sflag:s28] =	ssyncadd.s32 $0xFFFFF000  }
0x50: {  	_ =	swait.ge [sflag:s28], $0x1000  }
0x51: {  	[sflag:s28] =	ssyncset.done $0x0  }
0x52: {  	[sflag:s28] =	ssyncadd.s32 $0xFFFFF000  }
0x53: {  	_ =	swait.ge [sflag:s28], $0x1000  }
0x54: {  	s0 =	simm.s32 $0x30;
	[sflag:s28] =	ssyncset.done $0x0  }
.LBB2_4:
0x55: {  	p0 =	sne.s32 s0, $0x1;
	s0 =	sadd.s32 $0xFFFFFFFF, s0;
	[sflag:s28] =	ssyncadd.s32 $0xFFFFF000  }
0x56: {  	_ =	swait.ge [sflag:s28], $0x1000  }
0x57: {  	[sflag:s28] =	ssyncset.done $0x0  }
0x58: {  	[sflag:s28] =	ssyncadd.s32 $0xFFFFF000  }
0x59: {  	_ =	swait.ge [sflag:s28], $0x1000  }
0x5a: {  	[sflag:s28] =	ssyncset.done $0x0  }
0x5b: {  	[sflag:s28] =	ssyncadd.s32 $0xFFFFF000  }
.Ltmp1:
0x5c: {  	_ =	swait.ge [sflag:s28], $0x1000;
	(pc) =	sbr.rel @p0 .LBB2_4-.Ltmp1, $4  }
0x5d: {  	[sflag:s28] =	ssyncset.done $0x0  }
0x5e: {  	[sflag:s28] =	ssyncadd.s32 $0xFFFFF000  }
0x5f: {  	_ =	swait.ge [sflag:s28], $0x1000  }
0x60: {  	[sflag:s28] =	ssyncset.done $0x0  }
0x61: {  	[sflag:s28] =	ssyncadd.s32 $0xFFFFF000  }
0x62: {  	_ =	swait.ge [sflag:s29], $0x1000  }
0x63: {  	[sflag:s29] =	ssyncset.done $0x0  }
0x64: {  	[sflag:s29] =	ssyncadd.s32 $0xFFFFF000  }
0x65: {  	_ =	swait.ge [sflag:s29], $0x1000  }
0x66: {  	[sflag:s29] =	ssyncset.done $0x0  }
0x67: {  	[sflag:s29] =	ssyncadd.s32 $0xFFFFF000  }
0x68: {  	_ =	swait.ge [sflag:s29], $0x1000  }
0x69: {  	[sflag:s29] =	ssyncset.done $0x0  }
0x6a: {  	[sflag:s29] =	ssyncadd.s32 $0xFFFFF000  }
0x6b: {  	_ =	swait.ge [sflag:s29], $0x1000  }
0x6c: {  	[sflag:s29] =	ssyncset.done $0x0  }
0x6d: {  	s0 =	simm.s32 $0x0;
	s1 =	simm.s32 $0x0;
	[sflag:s29] =	ssyncadd.s32 $0xFFFFF000  }
.LBB2_6:
0x6e: {  	s11 =	sshll.u32 s1, $0x4;
	v1 =	vmov s0  }
0x6f: {  	v2 =	vmov s11;
	v1 =	vand.u32 $0x1F, v1  }
0x70: {  	v2 =	vshll.u32 v2, $0x5;
	v3 =	vbroadcast v1, $0x0  }
0x71: {  	v1 =	vor.u32 v0, v2  }
0x72: {  	s15 =	simm.s32 $0x1;
	v2 =	vor.u32 v1, v3  }
0x73: {  	v3 =	vmov s15  }
0x74: {  	v3 =	vand.u32 $0x1F, v3  }
0x75: {  	v3 =	vbroadcast v3, $0x0;
	_ =	sdelay $0x1  }
0x76: {  	v4 =	vor.u32 v1, v3;
	v6 =	vld.idx.msk [tilespmem:v2+s21+$0x0], $0xffff  }
0x77: {  	s17 =	simm.s32 $0x2;
	v7 =	vld.idx.msk [tilespmem:v2+s14+$0x0], $0xffff  }
0x78: {  	v2 =	vmov s17  }
0x79: {  	v2 =	vand.u32 $0x1F, v2  }
0x7a: {  	v5 =	vbroadcast v2, $0x0  }
0x7b: {  	v2 =	vld.idx.msk [tilespmem:v4+s21+$0x0], $0xffff  }
0x7c: {  	s15 =	simm.s32 $0x3;
	v3 =	vimm.f32 $0.0e+00;
	v5 =	vor.u32 v1, v5;
	v4 =	vld.idx.msk [tilespmem:v4+s14+$0x0], $0xffff;
	v6 =	vmul.f32 v7, v6  }
.LBB2_7:
0x7d: {  	p0 =	sne.s32 s15, $0x1F  }
.Ltmp2:
0x7e: {  	v7 =	vmov s15;
	v3 =	vadd.f32 v6, v3;
	(pc) =	sbr.rel @p0 .LBB2_7-.Ltmp2, $4  }
0x7f: {  	s15 =	sadd.s32 $0x1, s15;
	v8 =	vand.u32 $0x1F, v7  }
0x80: {  	v7 =	vbroadcast v8, $0x0  }
0x81: {  	v6 =	vmov v2;
	v2 =	vld.idx.msk [tilespmem:v5+s21+$0x0], $0xffff  }
0x82: {  	v6 =	vmul.f32 v4, v6;
	v4 =	vld.idx.msk [tilespmem:v5+s14+$0x0], $0xffff;
	v5 =	vor.u32 v1, v7  }
0x83: {  	_ =	sdelay $0x3  }
0x84: {  	v1 =	vld.idx.msk [tilespmem:v5+s21+$0x0], $0xffff  }
0x85: {  	v63 =	vld.idx.msk [tilespmem:v5+s14+$0x0], $0xffff;
	_ =	sdelay $0x2  }
0x86: {  	s1 =	sadd.s32 $0x1, s1;
	v3 =	vadd.f32 v6, v3;
	v2 =	vmul.f32 v4, v2  }
0x87: {  	p0 =	sne.s32 s1, $0x20  }
.Ltmp3:
0x88: {  	v1 =	vmul.f32 v63, v1;
	v2 =	vadd.f32 v2, v3;
	(pc) =	sbr.rel @p0 .LBB2_6-.Ltmp3, $3  }
0x89: {  	_ = 	snop  }
0x8a: {  	v1 =	vadd.f32 v1, v2;
	_ =	sdelay $0x1  }
0x8b: {  	[tilespmem:s11+$0xE600] =	vst v1  }
0x8c: {  	[hbm4b:s7+s2] =	stream.linear.scatter [tilespmem:s21], [sflag:$0x3], $0x4000, $0x38;
	[tilespmem:$0xE800] =	vst v63  }
0x8d: {  	s31 =	sadd.s32 $0x1, s31;
	_ =	swait.ge [sflag:s10], $0x4000  }
0x8e: {  	p0 =	sne.s32 s31, s9;
	[sflag:s10] =	ssyncset.done $0x0  }
.Ltmp4:
0x8f: {  	[sflag:s10] =	ssyncadd.s32 $0xFFFFC000;
	(pc) =	sbr.rel @p0 .LBB2_1-.Ltmp4, $4  }
0x90: {  	[hbm4b:s8+s2] =	stream.linear.scatter [tilespmem:s30], [sflag:$0x3], $0x200, $0x38;
	[tilespmem:$0xE800] =	vst v63  }
0x91: {  	_ =	swait.ge [sflag:s10], $0x200  }
0x92: {  	[sflag:s10] =	ssyncset.done $0x0  }
0x93: {  	[sflag:s10] =	ssyncadd.s32 $0xFFFFFE00  }
0x94: {  	_ =	sfence.sel $0x180000  }
0x95: {  	[bflag:$0x0] =	sbarrier.arrive $0xFFFF  }
0x96: {  	_ =	strace $0x90000047  }
0x97: {  	s0 =	stileid.u32;
	[bflag:$0x2] =	sbarrier.arrive $0xFFFF  }
0x98: {  	p0 =	sne.s32 s0, $0x0;
	s0 =	rddreg [dreg:$0x2]  }
0x99: {  	s0 =	sadd.s32 @!p0 $0x100000, s0  }
0x9a: {  	[sflag:s0] =	ssyncadd.tile.s32 @!p0 $0x1;
	_ =	shalt  }
.Lfunc_end2:
_tile_overlayer_lowered:
.L_overlay_start_2:
0x9b: {  	(tag) =	ssettag $0x2  }
0x9c: {  	s0 =	rddreg [dreg:$0x0];
	s2 =	stileid.u32  }
0x9d: {  	s1 =	rddreg [dreg:$0x1];
	p0 =	sne.s32 s2, $0x0  }
0x9e: {  	s3 =	rddreg [dreg:$0x2];
	[bflag:$0x3] =	sbarrier.arrive $0xFFFF;
	s2 =	simm.s32 @!p0 $0x1C03  }
0x9f: {  	[timem:s3], [sflag:s2] =	dma.local @!p0 [hbm:s0], s1  }
0xa0: {  	s0 =	simm.s32 @!p0 $0x3  }
0xa1: {  	_ =	swait.ge @!p0 [sflag:s0], s1  }
0xa2: {  	s1 =	ssub.s32 @!p0 $0x0, s1;
	[sflag:s0] =	ssyncset.done @!p0 $0x0  }
0xa3: {  	[sflag:s0] =	ssyncadd.s32 @!p0 s1  }
0xa4: {  	[bflag:$0x3] =	sbarrier.arrive $0xFFFF  }
0xa5: {  	_ =	shalt  }

// kernel: kernel.7.cloned.1.call-start
scs
__scs_entry_jumppad:
0x0: {  	(pc) =	sbr.rel $0x88, $3  }
0x1: {  	(tag) =	ssettag $0x0;
	lr =	simm.s32 $0x1  }
0x2: {  	[smem:$0x3F9A] =	sst lr;
	_ =	strace $0xD0000000  }
0x3: {  	_ = 	snop  }
0x4: {  	_ = 	snop  }
0x5: {  	_ = 	snop  }
0x6: {  	_ = 	snop  }
0x7: {  	_ = 	snop  }
__scs_overlays_trampoline_lowered:
0x8: {  	[smem:$0x3FA9] =	sst s0  }
0x9: {  	[smem:$0x3FAA] =	sst s1  }
0xa: {  	[smem:$0x3FAB] =	sst s2  }
0xb: {  	[smem:$0x3FAC] =	sst s3  }
0xc: {  	[smem:$0x3FAD] =	sst s4  }
0xd: {  	[smem:$0x3FAE] =	sst s5  }
0xe: {  	[smem:$0x3FAF] =	sst s6  }
0xf: {  	[smem:$0x3FB0] =	sst s7  }
0x10: {  	[smem:$0x3FB1] =	sst s8  }
0x11: {  	[smem:$0x3FB2] =	sst s9;
	s0 =	simm.s32 @!p0 $0x0  }
0x12: {  	s1 =	sld [smem:$0x3F98];
	s0 =	simm.s32 @p0 $0x1  }
0x13: {  	[smem:$0x3FB3] =	sst s0;
	s0 =	simm.s32 @!p1 $0x0  }
0x14: {  	s2 =	sld [smem:$0x3F97];
	s0 =	simm.s32 @p1 $0x1  }
0x15: {  	[smem:$0x3FB4] =	sst s0;
	s0 =	simm.s32 @!p2 $0x0  }
0x16: {  	s3 =	sld [smem:$0x3FDB];
	s0 =	simm.s32 @p2 $0x1  }
0x17: {  	s4 =	simm.s32 $0x1BF5;
	[smem:$0x3FB6] =	sst s0  }
0x18: {  	s0 =	sld [smem:$0x3F99];
	_ =	swait.ge [sflag:s4], $0x0  }
0x19: {  	s7 =	sld [smem:$0x3F9A]  }
0x1a: {  	s8 =	sadd.s32 $0xFFFFE003, lr  }
0x1b: {  	s9 =	sadd.s32 $0xFFFFFEF7, lr;
	s5 =	simm.s32 $0xFFFFFFFF;
	p2 =	slt.u32 s8, $0xFFFFF086  }
0x1c: {  	p1 =	slt.u32 s9, $0xF7A;
	s5 =	simm.s32 @!p2 $0x0  }
0x1d: {  	s5 =	simm.s32 @p1 $0x1;
	p0 =	seq.s32 s7, s2  }
0x1e: {  	s7 =	smul.u32 @!p0 $0xF7A, s2;
	p2 =	seq.s32 @!p0 s5, $0x0  }
0x1f: {  	s9 =	smul.u32 $0xF7A, s1;
	s8 =	simm.s32 @!p0 $0x1BF5;
	p2 =	por !p2, p0  }
0x20: {  	[sflag:s8] =	ssyncset.s32 @!p0 $0xFFFFF086;
	s6 =	sadd.s32 @!p0 s3, s7;
	s7 =	simm.s32 @!p0 $0x108  }
0x21: {  	s3 =	sadd.s32 s3, s9;
	s6 =	sadd.s32 @!p0 $0x88, s6;
	s7 =	simm.s32 @p2 $0x1082  }
0x22: {  	[simem:s7], [sflag:s8] =	dma.local @!p0 [hbm:s6], $0xF7A  }
0x23: {  	s9 =	sor.u32 $0xD0000000, s2;
	s6 =	simm.s32 $0x108;
	_ =	swait.ge @!p0 [sflag:s8], $0x0  }
0x24: {  	s3 =	sadd.s32 $0x88, s3;
	s6 =	simm.s32 @!p1 $0x1082;
	[sflag:s4] =	ssyncset.s32 $0xFFFFF086  }
0x25: {  	[simem:s6], [sflag:s4] =	dma.local [hbm:s3], $0xF7A  }
0x26: {  	[smem:$0x3F9A] =	sst s1;
	(tag) =	ssettag s2;
	_ =	strace s9  }
0x27: {  	s1 =	sld [smem:$0x3FAA]  }
0x28: {  	s2 =	sld [smem:$0x3FAB]  }
0x29: {  	s4 =	sld [smem:$0x3FAD]  }
0x2a: {  	p0 =	seq.s32 s5, $0x0;
	s5 =	sld [smem:$0x3FAE]  }
0x2b: {  	s6 =	sld [smem:$0x3FAF]  }
0x2c: {  	s7 =	sld [smem:$0x3FB0]  }
0x2d: {  	s3 =	simm.s32 $0x108;
	s8 =	sld [smem:$0x3FB1]  }
0x2e: {  	s3 =	simm.s32 @!p0 $0x1082;
	s9 =	sld [smem:$0x3FB2]  }
0x2f: {  	lr =	sadd.s32 s0, s3;
	s0 =	sld [smem:$0x3FA9]  }
0x30: {  	s3 =	sld [smem:$0x3FAC]  }
0x31: {  	[smem:$0x3FB5] =	sst s10  }
0x32: {  	s10 =	sld [smem:$0x3FB3];
	_ =	sdelay $0x3  }
0x33: {  	p0 =	seq.s32 s10, $0x1;
	s10 =	sld [smem:$0x3FB5];
	_ =	sdelay $0x3  }
0x34: {  	[smem:$0x3FB5] =	sst s10  }
0x35: {  	s10 =	sld [smem:$0x3FB4];
	_ =	sdelay $0x3  }
0x36: {  	p1 =	seq.s32 s10, $0x1;
	s10 =	sld [smem:$0x3FB5];
	_ =	sdelay $0x3  }
0x37: {  	[smem:$0x3FB5] =	sst s10  }
0x38: {  	s10 =	sld [smem:$0x3FB6]  }
0x39: {  	_ = 	snop;
	(pc) =	sbr.ind lr, $3  }
0x3a: {  	_ = 	snop  }
0x3b: {  	_ = 	snop  }
0x3c: {  	p2 =	seq.s32 s10, $0x1;
	s10 =	sld [smem:$0x3FB5]  }
0x3d: {  	_ =	shalt  }
0x3e: {  	_ =	shalt  }
0x3f: {  	_ =	shalt  }
0x40: {  	_ =	shalt  }
0x41: {  	_ =	shalt  }
0x42: {  	_ =	shalt  }
0x43: {  	_ =	shalt  }
0x44: {  	_ =	shalt  }
0x45: {  	_ =	shalt  }
0x46: {  	_ =	shalt  }
0x47: {  	_ =	shalt  }
0x48: {  	_ =	shalt  }
0x49: {  	_ =	shalt  }
0x4a: {  	_ =	shalt  }
0x4b: {  	_ =	shalt  }
0x4c: {  	_ =	shalt  }
0x4d: {  	_ =	shalt  }
0x4e: {  	_ =	shalt  }
0x4f: {  	_ =	shalt  }
0x50: {  	_ =	shalt  }
0x51: {  	_ =	shalt  }
0x52: {  	_ =	shalt  }
0x53: {  	_ =	shalt  }
0x54: {  	_ =	shalt  }
0x55: {  	_ =	shalt  }
0x56: {  	_ =	shalt  }
0x57: {  	_ =	shalt  }
0x58: {  	_ =	shalt  }
0x59: {  	_ =	shalt  }
0x5a: {  	_ =	shalt  }
0x5b: {  	_ =	shalt  }
0x5c: {  	_ =	shalt  }
0x5d: {  	_ =	shalt  }
0x5e: {  	_ =	shalt  }
0x5f: {  	_ =	shalt  }
0x60: {  	_ =	shalt  }
0x61: {  	_ =	shalt  }
0x62: {  	_ =	shalt  }
0x63: {  	_ =	shalt  }
0x64: {  	_ =	shalt  }
0x65: {  	_ =	shalt  }
0x66: {  	_ =	shalt  }
0x67: {  	_ =	shalt  }
0x68: {  	_ =	shalt  }
0x69: {  	_ =	shalt  }
0x6a: {  	_ =	shalt  }
0x6b: {  	_ =	shalt  }
0x6c: {  	_ =	shalt  }
0x6d: {  	_ =	shalt  }
0x6e: {  	_ =	shalt  }
0x6f: {  	_ =	shalt  }
0x70: {  	_ =	shalt  }
0x71: {  	_ =	shalt  }
0x72: {  	_ =	shalt  }
0x73: {  	_ =	shalt  }
0x74: {  	_ =	shalt  }
0x75: {  	_ =	shalt  }
0x76: {  	_ =	shalt  }
0x77: {  	_ =	shalt  }
0x78: {  	_ =	shalt  }
0x79: {  	_ =	shalt  }
0x7a: {  	_ =	shalt  }
0x7b: {  	_ =	shalt  }
0x7c: {  	_ =	shalt  }
0x7d: {  	_ =	shalt  }
0x7e: {  	_ =	shalt  }
0x7f: {  	_ =	shalt  }
0x80: {  	_ =	shalt  }
0x81: {  	_ =	shalt  }
0x82: {  	_ =	shalt  }
0x83: {  	_ =	shalt  }
0x84: {  	_ =	shalt  }
0x85: {  	_ =	shalt  }
0x86: {  	_ =	shalt  }
0x87: {  	_ =	shalt  }
.Lfunc_end0:
.L_simem_size_0:
called_computation.1_lowered:
.L_overlay_start_0:
0x88: {  	s2 =	sld [smem:$0x3FD9]  }
0x89: {  	s3 =	sld [smem:$0x3FFE];
	_ =	sdelay $0x1  }
0x8a: {  	s1 =	srdreg.scid  }
0x8b: {  	s0 =	sand.u32 $0x1, s1  }
0x8c: {  	s14 =	sshll.u32 s0, $0xA;
	s2 =	sadd.s32 s3, s2  }
0x8d: {  	s2 =	sadd.s32 s2, s14  }
0x8e: {  	[smem:$0x3FC1] =	sst s2  }
0x8f: {  	_ = 	snop  }
0x90: {  	s2 =	sld [smem:$0x3FD0];
	_ =	sdelay $0x1  }
0x91: {  	s15 =	sld [smem:$0x3FC8]  }
0x92: {  	s5 =	simm.s32 $0xA;
	s6 =	simm.s32 $0x10;
	s4 =	sld [smem:$0x3FC7]  }
0x93: {  	[smem:s6], [sflag:s5] =	dma.local [hbm:s2], $0x1  }
0x94: {  	_ =	swait.eq [sflag:s5], $0x1  }
0x95: {  	[sflag:s5] =	ssyncset.done $0x0  }
0x96: {  	s16 =	sld [smem:$0x10];
	[sflag:s5] =	ssyncadd.s32 $0xFFFFFFFF  }
0x97: {  	s17 =	sld [smem:$0x11];
	(tm) =	ssettm $0x1  }
0x98: {  	s18 =	sld [smem:$0x3FFB];
	_ =	sdelay $0x3  }
0x99: {  	_ =	strace s18  }
0x9a: {  	s6 =	sld [smem:$0x3FFC];
	_ =	sdelay $0x3  }
0x9b: {  	_ =	strace s6  }
0x9c: {  	s6 =	sld [smem:$0x3FFD];
	_ =	sdelay $0x3  }
0x9d: {  	_ =	strace s6  }
0x9e: {  	_ =	strace $0x8FFFFFFF  }
0x9f: {  	s19 =	sld [smem:$0x3FDB];
	_ =	sdelay $0x1  }
0xa0: {  	s7 =	simm.s32 $_scs_section_size  }
0xa1: {  	s8 =	simm.s32 $_size__tile_overlayer_lowered;
	s9 =	simm.s32 $_tile_overlayer_lowered  }
0xa2: {  	s22 =	simm.s32 $0x1BFF;
	s21 =	sshll.u32 s9, $0x1;
	s6 =	sadd.s32 s7, s19  }
0xa3: {  	s10 =	simm.s32 $0x0;
	s20 =	sshll.u32 s8, $0x1;
	s8 =	sadd.s32 s21, s6  }
0xa4: {  	[timem:s10], [sflag:s22] =	dma.local [hbm:s8], s20  }
0xa5: {  	_ =	swait.ge [sflag:s22], s20  }
0xa6: {  	s7 =	ssub.s32 $0x0, s20;
	[sflag:s22] =	ssyncset.done $0x0  }
0xa7: {  	[sflag:s22] =	ssyncadd.s32 s7;
	_ =	sdelay $0x1  }
0xa8: {  	s23 =	simm.s32 $0x1B8B  }
0xa9: {  	_ =	swait.ge [sflag:s23], $0x1  }
0xaa: {  	[sflag:s23] =	ssyncset.done $0x0  }
0xab: {  	s25 =	simm.s32 $0x1B8E;
	s24 =	sld [smem:$0x3FFE];
	[sflag:s23] =	ssyncadd.s32 $0xFFFFFFFF  }
0xac: {  	s26 =	simm.s32 $execute0_lowered;
	[smem:$0x3FD2] =	sst s25  }
0xad: {  	s8 =	sshll.u32 s26, $0x1;
	_ =	strace $0x80000049;
	[dreg:$0x1] =	wrdreg $0xFFFFFFFF  }
0xae: {  	s28 =	simm.s32 $_size_execute0_lowered;
	s6 =	sadd.s32 s6, s8;
	[dreg:$0x0] =	wrdreg $0x0  }
0xaf: {  	s8 =	sshll.u32 s28, $0x1;
	[dreg:$0x2] =	wrdreg s6  }
0xb0: {  	[dreg:$0x3] =	wrdreg s8  }
0xb1: {  	[dreg:$0x4] =	wrdreg $0xC0  }
0xb2: {  	_ =	task [dreg:s10], $0x5FFFF  }
0xb3: {  	[dreg:$0x1] =	wrdreg $0xFFFFFFFF  }
0xb4: {  	[dreg:$0x0] =	wrdreg $0x60  }
0xb5: {  	[dreg:$0x2] =	wrdreg s15  }
0xb6: {  	[dreg:$0x3] =	wrdreg s4  }
0xb7: {  	[dreg:$0x4] =	wrdreg s24  }
0xb8: {  	[dreg:$0x5] =	wrdreg s16  }
0xb9: {  	[dreg:$0x6] =	wrdreg s17  }
0xba: {  	[dreg:$0x7] =	wrdreg $0x9  }
0xbb: {  	_ =	task.clear_ibuf [dreg:s10], $0x8FFFF;
	_ =	strace $0x90000049  }
0xbc: {  	s29 =	simm.s32 $0x9;
	_ =	strace $0x8000004B  }
0xbd: {  	_ =	swait.ge [sflag:s29], $0x1  }
0xbe: {  	[sflag:s29] =	ssyncadd.s32 $0xFFFFFFFF  }
0xbf: {  	_ =	strace $0x9000004B  }
0xc0: {  	_ =	sfence  }
0xc1: {  	s30 =	sld [smem:$0x0];
	_ =	sdelay $0x2  }
0xc2: {  	s31 =	sshll.u32 s1, $0xD;
	s1 =	sshrl.u32 s1, $0x2  }
0xc3: {  	s3 =	sand.u32 $0x4000, s31;
	s1 =	sadd.s32 s1, s30  }
0xc4: {  	s0 =	sor.u32 s3, s0;
	s1 =	sshll.u32 s1, $0x11  }
0xc5: {  	s0 =	sor.u32 s1, s0  }
0xc6: {  	s0 =	sadd.s32 $0x8F2B, s0  }
0xc7: {  	[sflag:s0] =	ssyncadd.remote.s32 $0x1  }
0xc8: {  	_ =	sfence.sel $0xFFFF  }
0xc9: {  	[dreg:$0x0] =	wrdreg $0xFFFFFFFF;
	(pc) =	sbr.abs _section_cstart, $3  }
0xca: {  	[dreg:$0x1] =	wrdreg $0xFFFFFFFF  }
0xcb: {  	_ =	task.clear_ibuf [dreg:s10], $0x2FFFF;
	_ =	strace $0x9FFFFFFF  }
0xcc: {  	(tm) =	ssettm $0x7FFFFFFF  }
0xcd: {  	_ =	shalt  }
tec
execute0_lowered:
.L_overlay_start_1:
0x0: {  	(tag) =	ssettag $0x1  }
0x1: {  	s0 =	rddreg [dreg:$0x0]  }
0x2: {  	s1 =	rddreg [dreg:$0x1]  }
0x3: {  	s4 =	rddreg [dreg:$0x2]  }
0x4: {  	s8 =	rddreg [dreg:$0x3]  }
0x5: {  	s9 =	rddreg [dreg:$0x4]  }
0x6: {  	s3 =	srdreg.scid;
	s2 =	simm.s32 $0x0;
	s6 =	stileid.u32  }
0x7: {  	s13 =	simm.s32 $0x80;
	s14 =	simm.s32 $0x4400;
	s15 =	simm.s32 $0x8400  }
0x8: {  	s19 =	simm.s32 $0x100;
	s20 =	simm.s32 $0x6400;
	s21 =	simm.s32 $0x300  }
0x9: {  	s22 =	simm.s32 $0xA400;
	s23 =	simm.s32 $0x180;
	s28 =	simm.s32 $0x400  }
0xa: {  	s29 =	simm.s32 $0x1;
	s30 =	simm.s32 $0xC600;
	s31 =	simm.s32 $0xC800  }
0xb: {  	s5 =	sand.u32 $0x1, s3;
	[smem:$0x7FF] =	sst s2;
	s24 =	sshll.u32 s6, $0xA  }
0xc: {  	s3 =	sadd.s32 $0x11A7600, s4;
	s25 =	sshll.u32 s5, $0x9;
	s5 =	ssub.s32 $0x2, s5  }
0xd: {  	_ =	strace $0x8000004A;
	s6 =	sor.u32 s25, s24;
	s26 =	sshrl.u32 s5, $0x1  }
0xe: {  	s24 =	simm.s32 $0x7400;
	s25 =	simm.s32 $0x380;
	s7 =	sshll.u32 s6, $0x2  }
0xf: {  	s10 =	sshrl.u32 s6, $0x3;
	s12 =	ssub.s32 s5, s26;
	s26 =	simm.s32 $0xB400  }
0x10: {  	v0 =	vlaneseq.u32;
	s7 =	sadd.s32 s7, s4;
	s11 =	sadd.s32 s10, s4;
	s4 =	sadd.s32 s0, s10  }
0x11: {  	v0 =	vmul.u32 $0x20, v0;
	s5 =	sadd.s32 s1, s10;
	s8 =	sadd.s32 s8, s10;
	s9 =	sadd.s32 s9, s10  }
0x12: {  	s10 =	smax.u32 s12, $0x1;
	s12 =	simm.s32 $0x200;
	s0 =	simm.s32 $0x0  }
0x13: {  	[tilespmem:$0x1FFF0] =	vst v0;
	s6 =	sadd.s32 $0x1B000, s7;
	s7 =	sadd.s32 $0x2B000, s11;
	s11 =	simm.s32 $0x2  }
.LBB2_1:
0x14: {  	[tilespmem:s2], [sflag:$0x2] =	stream.linear.gather [hbm4b:s4+s2], $0x200, $0x38;
	[tilespmem:$0xCA00] =	vst v63  }
0x15: {  	_ =	swait.ge [sflag:s11], $0x200  }
0x16: {  	[sflag:s11] =	ssyncset.done $0x0  }
0x17: {  	[sflag:s11] =	ssyncadd.s32 $0xFFFFFE00  }
0x18: {  	[tilespmem:s12], [sflag:$0x2] =	stream.linear.gather [hbm4b:s5+s2], $0x200, $0x38;
	[tilespmem:$0xCA00] =	vst v63  }
0x19: {  	_ =	swait.ge [sflag:s11], $0x200  }
0x1a: {  	[sflag:s11] =	ssyncset.done $0x0  }
0x1b: {  	[sflag:s11] =	ssyncadd.s32 $0xFFFFFE00  }
0x1c: {  	[tilespmem:s14], [sflag:$0x1] =	stream.indirect.gather [hbm4b:s3+s13], $0x20, s2, s13, $0xb8;
	[tilespmem:$0xCA00] =	vst v63  }
0x1d: {  	_ = 	snop  }
0x1e: {  	[tilespmem:s15], [sflag:$0x1] =	stream.indirect.gather [hbm4b:s3+s13], $0x20, s12, s13, $0xb8;
	[tilespmem:$0xCA00] =	vst v63  }
0x1f: {  	s1 =	simm.s32 $0x5400  }
0x20: {  	[tilespmem:s1], [sflag:$0x1] =	stream.indirect.gather [hbm4b:s3+s13], $0x20, s13, s13, $0xb8;
	[tilespmem:$0xCA00] =	vst v63  }
0x21: {  	s17 =	simm.s32 $0x280;
	s16 =	simm.s32 $0x9400  }
0x22: {  	[tilespmem:s16], [sflag:$0x1] =	stream.indirect.gather [hbm4b:s3+s13], $0x20, s17, s13, $0xb8;
	[tilespmem:$0xCA00] =	vst v63  }
0x23: {  	_ = 	snop  }
0x24: {  	[tilespmem:s20], [sflag:$0x1] =	stream.indirect.gather [hbm4b:s3+s13], $0x20, s19, s13, $0xb8;
	[tilespmem:$0xCA00] =	vst v63  }
0x25: {  	_ = 	snop  }
0x26: {  	[tilespmem:s22], [sflag:$0x1] =	stream.indirect.gather [hbm4b:s3+s13], $0x20, s21, s13, $0xb8;
	[tilespmem:$0xCA00] =	vst v63  }
0x27: {  	_ = 	snop  }
0x28: {  	[tilespmem:s24], [sflag:$0x1] =	stream.indirect.gather [hbm4b:s3+s13], $0x20, s23, s13, $0xb8;
	[tilespmem:$0xCA00] =	vst v63  }
0x29: {  	_ = 	snop  }
0x2a: {  	[tilespmem:s26], [sflag:$0x1] =	stream.indirect.gather [hbm4b:s3+s13], $0x20, s25, s13, $0xb8;
	[tilespmem:$0xCA00] =	vst v63  }
0x2b: {  	_ = 	snop  }
0x2c: {  	[tilespmem:s28], [sflag:$0x2] =	stream.linear.gather [hbm4b:s6+s2], $0x4000, $0x38;
	[tilespmem:$0xCA00] =	vst v63  }
0x2d: {  	_ =	swait.ge [sflag:s11], $0x4000  }
0x2e: {  	[sflag:s11] =	ssyncset.done $0x0  }
0x2f: {  	s1 =	simm.s32 $0xC400;
	[sflag:s11] =	ssyncadd.s32 $0xFFFFC000  }
0x30: {  	[tilespmem:s1], [sflag:$0x2] =	stream.linear.gather [hbm4b:s7+s2], $0x200, $0x38;
	[tilespmem:$0xCA00] =	vst v63  }
0x31: {  	_ =	swait.ge [sflag:s11], $0x200  }
0x32: {  	[sflag:s11] =	ssyncset.done $0x0  }
0x33: {  	[sflag:s11] =	ssyncadd.s32 $0xFFFFFE00  }
0x34: {  	_ =	swait.ge [sflag:s29], $0x1000  }
0x35: {  	[sflag:s29] =	ssyncset.done $0x0  }
0x36: {  	[sflag:s29] =	ssyncadd.s32 $0xFFFFF000  }
0x37: {  	_ =	swait.ge [sflag:s29], $0x1000  }
0x38: {  	[sflag:s29] =	ssyncset.done $0x0  }
0x39: {  	[sflag:s29] =	ssyncadd.s32 $0xFFFFF000  }
0x3a: {  	_ =	swait.ge [sflag:s29], $0x1000  }
0x3b: {  	[sflag:s29] =	ssyncset.done $0x0  }
0x3c: {  	[sflag:s29] =	ssyncadd.s32 $0xFFFFF000  }
0x3d: {  	_ =	swait.ge [sflag:s29], $0x1000  }
0x3e: {  	[sflag:s29] =	ssyncset.done $0x0  }
0x3f: {  	[sflag:s29] =	ssyncadd.s32 $0xFFFFF000  }
0x40: {  	_ =	swait.ge [sflag:s29], $0x1000  }
0x41: {  	[sflag:s29] =	ssyncset.done $0x0  }
0x42: {  	[sflag:s29] =	ssyncadd.s32 $0xFFFFF000  }
0x43: {  	_ =	swait.ge [sflag:s29], $0x1000  }
0x44: {  	v1 =	vmov s2;
	[sflag:s29] =	ssyncset.done $0x0  }
0x45: {  	v1 =	vshll.u32 v1, $0x5;
	[sflag:s29] =	ssyncadd.s32 $0xFFFFF000  }
0x46: {  	v31 =	vor.u32 v0, v1;
	_ =	swait.ge [sflag:s29], $0x1000  }
0x47: {  	v5 =	vor.u32 $0x1F, v31;
	[sflag:s29] =	ssyncset.done $0x0  }
0x48: {  	v8 =	vor.u32 $0x1C, v31;
	[sflag:s29] =	ssyncadd.s32 $0xFFFFF000  }
0x49: {  	v10 =	vor.u32 $0x1B, v31;
	_ =	swait.ge [sflag:s29], $0x1000  }
0x4a: {  	v12 =	vor.u32 $0x1A, v31;
	[sflag:s29] =	ssyncset.done $0x0  }
0x4b: {  	v14 =	vor.u32 $0x19, v31;
	[sflag:s29] =	ssyncadd.s32 $0xFFFFF000  }
0x4c: {  	v16 =	vor.u32 $0x18, v31;
	v1 =	vld.idx.msk [tilespmem:v5+s14+$0x0], $0xffff  }
0x4d: {  	v18 =	vor.u32 $0x17, v31;
	v7 =	vld.idx.msk [tilespmem:v8+s14+$0x0], $0xffff  }
0x4e: {  	v20 =	vor.u32 $0x16, v31;
	v9 =	vld.idx.msk [tilespmem:v10+s14+$0x0], $0xffff  }
0x4f: {  	v22 =	vor.u32 $0x15, v31;
	v11 =	vld.idx.msk [tilespmem:v12+s14+$0x0], $0xffff  }
0x50: {  	v24 =	vor.u32 $0x14, v31;
	v13 =	vld.idx.msk [tilespmem:v14+s14+$0x0], $0xffff  }
0x51: {  	v26 =	vor.u32 $0x13, v31;
	v15 =	vld.idx.msk [tilespmem:v16+s14+$0x0], $0xffff  }
0x52: {  	v30 =	vor.u32 $0x11, v31;
	v17 =	vld.idx.msk [tilespmem:v18+s14+$0x0], $0xffff  }
0x53: {  	v33 =	vor.u32 $0xF, v31;
	v19 =	vld.idx.msk [tilespmem:v20+s14+$0x0], $0xffff  }
0x54: {  	v37 =	vor.u32 $0xB, v31;
	v21 =	vld.idx.msk [tilespmem:v22+s14+$0x0], $0xffff  }
0x55: {  	v42 =	vor.u32 $0x4, v31;
	v23 =	vld.idx.msk [tilespmem:v24+s14+$0x0], $0xffff  }
0x56: {  	v44 =	vor.u32 $0x3, v31;
	v25 =	vld.idx.msk [tilespmem:v26+s14+$0x0], $0xffff  }
0x57: {  	v46 =	vor.u32 $0x2, v31;
	v29 =	vld.idx.msk [tilespmem:v30+s14+$0x0], $0xffff  }
0x58: {  	v48 =	vor.u32 $0x1, v31;
	v40 =	vld.idx.msk [tilespmem:v33+s14+$0x0], $0xffff  }
0x59: {  	v47 =	vld.idx.msk [tilespmem:v37+s14+$0x0], $0xffff  }
0x5a: {  	v50 =	vld.idx.msk [tilespmem:v42+s14+$0x0], $0xffff  }
0x5b: {  	v51 =	vld.idx.msk [tilespmem:v44+s14+$0x0], $0xffff  }
0x5c: {  	v52 =	vld.idx.msk [tilespmem:v46+s14+$0x0], $0xffff  }
0x5d: {  	v53 =	vld.idx.msk [tilespmem:v48+s14+$0x0], $0xffff  }
0x5e: {  	v4 =	vor.u32 $0x1E, v31;
	v54 =	vld.idx.msk [tilespmem:v31+s14+$0x0], $0xffff  }
0x5f: {  	v55 =	vld.idx.msk [tilespmem:v31+s28+$0x0], $0xffff  }
0x60: {  	v56 =	vld.idx.msk [tilespmem:v31+s15+$0x0], $0xffff  }
0x61: {  	v57 =	vld.idx.msk [tilespmem:v48+s28+$0x0], $0xffff  }
0x62: {  	v48 =	vld.idx.msk [tilespmem:v48+s15+$0x0], $0xffff  }
0x63: {  	v6 =	vor.u32 $0x1D, v31;
	[tilespmem:$0x1FFB0] =	vst v1;
	v1 =	vld.idx.msk [tilespmem:v4+s14+$0x0], $0xffff  }
0x64: {  	v28 =	vor.u32 $0x12, v31;
	v59 =	vor.u32 $0x9, v31;
	v58 =	vld.idx.msk [tilespmem:v46+s28+$0x0], $0xffff  }
0x65: {  	v32 =	vor.u32 $0x10, v31;
	v34 =	vor.u32 $0xE, v31;
	v62 =	vor.u32 $0x7, v31;
	v46 =	vld.idx.msk [tilespmem:v46+s15+$0x0], $0xffff  }
0x66: {  	v35 =	vor.u32 $0xD, v31;
	v36 =	vor.u32 $0xC, v31;
	v63 =	vor.u32 $0x6, v31;
	v61 =	vld.idx.msk [tilespmem:v44+s28+$0x0], $0xffff  }
0x67: {  	v39 =	vor.u32 $0xA, v31;
	v60 =	vor.u32 $0x8, v31;
	v44 =	vld.idx.msk [tilespmem:v44+s15+$0x0], $0xffff;
	v31 =	vor.u32 $0x5, v31  }
0x68: {  	[tilespmem:$0x1FFA0] =	vst v1;
	v1 =	vld.idx.msk [tilespmem:v6+s14+$0x0], $0xffff  }
0x69: {  	v3 =	vld.idx.msk [tilespmem:v59+s14+$0x0], $0xffff  }
0x6a: {  	v2 =	vld.idx.msk [tilespmem:v62+s14+$0x0], $0xffff;
	v54 =	vmul.f32 v54, v55;
	v55 =	vmul.f32 v56, v55  }
0x6b: {  	v53 =	vmul.f32 v53, v57;
	v48 =	vmul.f32 v48, v57;
	v57 =	vld.idx.msk [tilespmem:v63+s14+$0x0], $0xffff  }
0x6c: {  	v52 =	vmul.f32 v52, v58;
	v46 =	vmul.f32 v46, v58;
	v58 =	vld.idx.msk [tilespmem:v31+s28+$0x0], $0xffff;
	v54 =	vadd.f32 $0.0e+00, v54  }
0x6d: {  	v55 =	vadd.f32 $0.0e+00, v55;
	[tilespmem:$0x1FF90] =	vst v1;
	v1 =	vld.idx.msk [tilespmem:v42+s28+$0x0], $0xffff  }
0x6e: {  	v53 =	vadd.f32 v53, v54;
	v42 =	vld.idx.msk [tilespmem:v42+s15+$0x0], $0xffff  }
0x6f: {  	v54 =	vld.idx.msk [tilespmem:v31+s14+$0x0], $0xffff;
	v48 =	vadd.f32 v48, v55  }
0x70: {  	v51 =	vmul.f32 v51, v61;
	v31 =	vld.idx.msk [tilespmem:v31+s15+$0x0], $0xffff;
	v52 =	vadd.f32 v52, v53  }
0x71: {  	v44 =	vmul.f32 v44, v61;
	v46 =	vadd.f32 v46, v48;
	v48 =	vld.idx.msk [tilespmem:v63+s28+$0x0], $0xffff  }
0x72: {  	v56 =	vld.idx.msk [tilespmem:v60+s14+$0x0], $0xffff;
	v51 =	vadd.f32 v51, v52;
	v50 =	vmul.f32 v50, v1  }
0x73: {  	v44 =	vadd.f32 v44, v46;
	v1 =	vmul.f32 v42, v1;
	v42 =	vld.idx.msk [tilespmem:v62+s28+$0x0], $0xffff  }
0x74: {  	v52 =	vld.idx.msk [tilespmem:v63+s15+$0x0], $0xffff;
	v63 =	vmul.f32 v54, v58;
	v61 =	vadd.f32 v50, v51  }
0x75: {  	v1 =	vadd.f32 v1, v44;
	v44 =	vld.idx.msk [tilespmem:v60+s28+$0x0], $0xffff  }
0x76: {  	v31 =	vmul.f32 v31, v58;
	v58 =	vld.idx.msk [tilespmem:v60+s15+$0x0], $0xffff;
	v60 =	vmul.f32 v57, v48;
	v46 =	vadd.f32 v63, v61  }
0x77: {  	v61 =	vld.idx.msk [tilespmem:v59+s28+$0x0], $0xffff  }
0x78: {  	v49 =	vld.idx.msk [tilespmem:v39+s14+$0x0], $0xffff;
	v2 =	vmul.f32 v2, v42;
	v46 =	vadd.f32 v60, v46  }
0x79: {  	v1 =	vadd.f32 v31, v1;
	v63 =	vld.idx.msk [tilespmem:v39+s28+$0x0], $0xffff  }
0x7a: {  	v50 =	vld.idx.msk [tilespmem:v62+s15+$0x0], $0xffff;
	v31 =	vmul.f32 v52, v48;
	v52 =	vmul.f32 v56, v44;
	v2 =	vadd.f32 v2, v46  }
0x7b: {  	v55 =	vld.idx.msk [tilespmem:v37+s28+$0x0], $0xffff  }
0x7c: {  	v45 =	vld.idx.msk [tilespmem:v36+s14+$0x0], $0xffff;
	v3 =	vmul.f32 v3, v61;
	v2 =	vadd.f32 v52, v2  }
0x7d: {  	v56 =	vld.idx.msk [tilespmem:v36+s28+$0x0], $0xffff  }
0x7e: {  	v43 =	vld.idx.msk [tilespmem:v35+s14+$0x0], $0xffff;
	v2 =	vadd.f32 v3, v2;
	v3 =	vmul.f32 v49, v63  }
0x7f: {  	v57 =	vld.idx.msk [tilespmem:v35+s28+$0x0], $0xffff;
	v1 =	vadd.f32 v31, v1;
	v31 =	vmul.f32 v50, v42  }
0x80: {  	v41 =	vld.idx.msk [tilespmem:v34+s14+$0x0], $0xffff;
	v2 =	vadd.f32 v3, v2;
	v3 =	vmul.f32 v47, v55  }
0x81: {  	v1 =	vadd.f32 v31, v1;
	v31 =	vmul.f32 v58, v44;
	v58 =	vld.idx.msk [tilespmem:v34+s28+$0x0], $0xffff  }
0x82: {  	v62 =	vld.idx.msk [tilespmem:v59+s15+$0x0], $0xffff;
	v2 =	vadd.f32 v3, v2;
	v3 =	vmul.f32 v45, v56  }
0x83: {  	v59 =	vld.idx.msk [tilespmem:v33+s28+$0x0], $0xffff  }
0x84: {  	v38 =	vld.idx.msk [tilespmem:v32+s14+$0x0], $0xffff;
	v2 =	vadd.f32 v3, v2;
	v3 =	vmul.f32 v43, v57  }
0x85: {  	v60 =	vld.idx.msk [tilespmem:v32+s28+$0x0], $0xffff  }
0x86: {  	v39 =	vld.idx.msk [tilespmem:v39+s15+$0x0], $0xffff;
	v2 =	vadd.f32 v3, v2;
	v3 =	vmul.f32 v41, v58  }
0x87: {  	v1 =	vadd.f32 v31, v1;
	v31 =	vmul.f32 v62, v61;
	v61 =	vld.idx.msk [tilespmem:v30+s28+$0x0], $0xffff  }
0x88: {  	v27 =	vld.idx.msk [tilespmem:v28+s14+$0x0], $0xffff;
	v2 =	vadd.f32 v3, v2;
	v3 =	vmul.f32 v40, v59  }
0x89: {  	v62 =	vld.idx.msk [tilespmem:v28+s28+$0x0], $0xffff  }
0x8a: {  	v37 =	vld.idx.msk [tilespmem:v37+s15+$0x0], $0xffff;
	v2 =	vadd.f32 v3, v2;
	v3 =	vmul.f32 v38, v60  }
0x8b: {  	v1 =	vadd.f32 v31, v1;
	v31 =	vmul.f32 v39, v63;
	v63 =	vld.idx.msk [tilespmem:v26+s28+$0x0], $0xffff  }
0x8c: {  	v36 =	vld.idx.msk [tilespmem:v36+s15+$0x0], $0xffff;
	v2 =	vadd.f32 v3, v2;
	v3 =	vmul.f32 v29, v61  }
0x8d: {  	v29 =	vld.idx.msk [tilespmem:v24+s28+$0x0], $0xffff  }
0x8e: {  	v35 =	vld.idx.msk [tilespmem:v35+s15+$0x0], $0xffff;
	v2 =	vadd.f32 v3, v2;
	v3 =	vmul.f32 v27, v62  }
0x8f: {  	v1 =	vadd.f32 v31, v1;
	v31 =	vmul.f32 v37, v55;
	v27 =	vld.idx.msk [tilespmem:v22+s28+$0x0], $0xffff  }
0x90: {  	v34 =	vld.idx.msk [tilespmem:v34+s15+$0x0], $0xffff;
	v2 =	vadd.f32 v3, v2;
	v3 =	vmul.f32 v25, v63  }
0x91: {  	v1 =	vadd.f32 v31, v1;
	v31 =	vmul.f32 v36, v56;
	v25 =	vld.idx.msk [tilespmem:v20+s28+$0x0], $0xffff  }
0x92: {  	v33 =	vld.idx.msk [tilespmem:v33+s15+$0x0], $0xffff;
	v2 =	vadd.f32 v3, v2;
	v3 =	vmul.f32 v23, v29  }
0x93: {  	v1 =	vadd.f32 v31, v1;
	v31 =	vmul.f32 v35, v57;
	v23 =	vld.idx.msk [tilespmem:v18+s28+$0x0], $0xffff  }
0x94: {  	v32 =	vld.idx.msk [tilespmem:v32+s15+$0x0], $0xffff;
	v2 =	vadd.f32 v3, v2;
	v3 =	vmul.f32 v21, v27  }
0x95: {  	v1 =	vadd.f32 v31, v1;
	v31 =	vmul.f32 v34, v58;
	v21 =	vld.idx.msk [tilespmem:v16+s28+$0x0], $0xffff  }
0x96: {  	v30 =	vld.idx.msk [tilespmem:v30+s15+$0x0], $0xffff;
	v2 =	vadd.f32 v3, v2;
	v3 =	vmul.f32 v19, v25  }
0x97: {  	v1 =	vadd.f32 v31, v1;
	v31 =	vmul.f32 v33, v59;
	v19 =	vld.idx.msk [tilespmem:v14+s28+$0x0], $0xffff  }
0x98: {  	v28 =	vld.idx.msk [tilespmem:v28+s15+$0x0], $0xffff;
	v2 =	vadd.f32 v3, v2;
	v3 =	vmul.f32 v17, v23  }
0x99: {  	v1 =	vadd.f32 v31, v1;
	v17 =	vld.idx.msk [tilespmem:v12+s28+$0x0], $0xffff  }
0x9a: {  	v26 =	vld.idx.msk [tilespmem:v26+s15+$0x0], $0xffff;
	v31 =	vmul.f32 v32, v60;
	v2 =	vadd.f32 v3, v2;
	v3 =	vmul.f32 v15, v21  }
0x9b: {  	v30 =	vmul.f32 v30, v61;
	v15 =	vld.idx.msk [tilespmem:v10+s28+$0x0], $0xffff  }
0x9c: {  	v24 =	vld.idx.msk [tilespmem:v24+s15+$0x0], $0xffff;
	v1 =	vadd.f32 v31, v1;
	v2 =	vadd.f32 v3, v2;
	v3 =	vmul.f32 v13, v19  }
0x9d: {  	v28 =	vmul.f32 v28, v62;
	v13 =	vld.idx.msk [tilespmem:v8+s28+$0x0], $0xffff  }
0x9e: {  	v1 =	vadd.f32 v30, v1;
	v2 =	vadd.f32 v3, v2;
	v3 =	vmul.f32 v11, v17  }
0x9f: {  	v26 =	vmul.f32 v26, v63;
	v22 =	vld.idx.msk [tilespmem:v22+s15+$0x0], $0xffff  }
0xa0: {  	v1 =	vadd.f32 v28, v1;
	v2 =	vadd.f32 v3, v2;
	v3 =	vmul.f32 v9, v15  }
0xa1: {  	v20 =	vld.idx.msk [tilespmem:v20+s15+$0x0], $0xffff;
	v24 =	vmul.f32 v24, v29  }
0xa2: {  	v18 =	vld.idx.msk [tilespmem:v18+s15+$0x0], $0xffff;
	v1 =	vadd.f32 v26, v1;
	v2 =	vadd.f32 v3, v2;
	v3 =	vmul.f32 v7, v13  }
0xa3: {  	v11 =	vld.idx.msk [tilespmem:v6+s28+$0x0], $0xffff  }
0xa4: {  	v22 =	vmul.f32 v22, v27;
	v1 =	vadd.f32 v24, v1;
	v2 =	vadd.f32 v3, v2;
	v3 =	vld [tilespmem:$0x1FF90]  }
0xa5: {  	v16 =	vld.idx.msk [tilespmem:v16+s15+$0x0], $0xffff  }
0xa6: {  	v20 =	vmul.f32 v20, v25;
	v1 =	vadd.f32 v22, v1  }
0xa7: {  	v14 =	vld.idx.msk [tilespmem:v14+s15+$0x0], $0xffff  }
0xa8: {  	v18 =	vmul.f32 v18, v23;
	v12 =	vld.idx.msk [tilespmem:v12+s15+$0x0], $0xffff;
	v1 =	vadd.f32 v20, v1  }
0xa9: {  	v10 =	vld.idx.msk [tilespmem:v10+s15+$0x0], $0xffff;
	v3 =	vmul.f32 v3, v11  }
0xaa: {  	v16 =	vmul.f32 v16, v21;
	v1 =	vadd.f32 v18, v1;
	v9 =	vld.idx.msk [tilespmem:v4+s28+$0x0], $0xffff  }
0xab: {  	v2 =	vadd.f32 v3, v2;
	v3 =	vld [tilespmem:$0x1FFA0]  }
0xac: {  	v14 =	vmul.f32 v14, v19;
	v1 =	vadd.f32 v16, v1  }
0xad: {  	v8 =	vld.idx.msk [tilespmem:v8+s15+$0x0], $0xffff  }
0xae: {  	v12 =	vmul.f32 v12, v17;
	v1 =	vadd.f32 v14, v1  }
0xaf: {  	v6 =	vld.idx.msk [tilespmem:v6+s15+$0x0], $0xffff  }
0xb0: {  	v10 =	vmul.f32 v10, v15;
	v4 =	vld.idx.msk [tilespmem:v4+s15+$0x0], $0xffff;
	v1 =	vadd.f32 v12, v1;
	v3 =	vmul.f32 v3, v9  }
0xb1: {  	v7 =	vld.idx.msk [tilespmem:v5+s28+$0x0], $0xffff  }
0xb2: {  	v8 =	vmul.f32 v8, v13;
	v1 =	vadd.f32 v10, v1;
	v2 =	vadd.f32 v3, v2;
	v3 =	vld [tilespmem:$0x1FFB0]  }
0xb3: {  	v5 =	vld.idx.msk [tilespmem:v5+s15+$0x0], $0xffff  }
0xb4: {  	v6 =	vmul.f32 v6, v11;
	v1 =	vadd.f32 v8, v1;
	v8 =	vld [tilespmem:s1+$0x0];
	_ =	sdelay $0x1  }
0xb5: {  	s18 =	simm.s32 $0x10;
	v4 =	vmul.f32 v4, v9;
	v1 =	vadd.f32 v6, v1  }
0xb6: {  	v6 =	vmov s18;
	v3 =	vmul.f32 v3, v7  }
0xb7: {  	v5 =	vmul.f32 v5, v7;
	v6 =	vshll.u32 v6, $0x5;
	v4 =	vadd.f32 v4, v1  }
0xb8: {  	v45 =	vor.u32 v0, v6;
	v2 =	vadd.f32 v3, v2;
	v3 =	vmul.f32 $1.999999960e-02, v8  }
0xb9: {  	v1 =	vor.u32 $0x1F, v45;
	v5 =	vadd.f32 v5, v4  }
0xba: {  	v4 =	vor.u32 $0x1E, v45;
	v2 =	vadd.f32 v3, v2  }
0xbb: {  	v10 =	vor.u32 $0x1B, v45;
	v3 =	vadd.f32 v3, v5  }
0xbc: {  	v12 =	vor.u32 $0x1A, v45;
	[tilespmem:s30+$0x0] =	vst v2  }
0xbd: {  	v14 =	vor.u32 $0x19, v45;
	[tilespmem:s31+$0x0] =	vst v3  }
0xbe: {  	v16 =	vor.u32 $0x18, v45;
	v63 =	vld.idx.msk [tilespmem:v1+s14+$0x0], $0xffff  }
0xbf: {  	v18 =	vor.u32 $0x17, v45;
	v0 =	vld.idx.msk [tilespmem:v4+s14+$0x0], $0xffff  }
0xc0: {  	v20 =	vor.u32 $0x16, v45;
	v9 =	vld.idx.msk [tilespmem:v10+s14+$0x0], $0xffff  }
0xc1: {  	v22 =	vor.u32 $0x15, v45;
	v11 =	vld.idx.msk [tilespmem:v12+s14+$0x0], $0xffff  }
0xc2: {  	v24 =	vor.u32 $0x14, v45;
	v13 =	vld.idx.msk [tilespmem:v14+s14+$0x0], $0xffff  }
0xc3: {  	v26 =	vor.u32 $0x13, v45;
	v15 =	vld.idx.msk [tilespmem:v16+s14+$0x0], $0xffff  }
0xc4: {  	v28 =	vor.u32 $0x12, v45;
	v17 =	vld.idx.msk [tilespmem:v18+s14+$0x0], $0xffff  }
0xc5: {  	v30 =	vor.u32 $0x11, v45;
	v19 =	vld.idx.msk [tilespmem:v20+s14+$0x0], $0xffff  }
0xc6: {  	v32 =	vor.u32 $0x10, v45;
	v21 =	vld.idx.msk [tilespmem:v22+s14+$0x0], $0xffff  }
0xc7: {  	v34 =	vor.u32 $0xF, v45;
	v23 =	vld.idx.msk [tilespmem:v24+s14+$0x0], $0xffff  }
0xc8: {  	v36 =	vor.u32 $0xE, v45;
	v25 =	vld.idx.msk [tilespmem:v26+s14+$0x0], $0xffff  }
0xc9: {  	v6 =	vor.u32 $0x1D, v45;
	v27 =	vld.idx.msk [tilespmem:v28+s14+$0x0], $0xffff  }
0xca: {  	v38 =	vor.u32 $0xD, v45;
	v29 =	vld.idx.msk [tilespmem:v30+s14+$0x0], $0xffff  }
0xcb: {  	v40 =	vor.u32 $0xC, v45;
	v31 =	vld.idx.msk [tilespmem:v32+s14+$0x0], $0xffff  }
0xcc: {  	v42 =	vor.u32 $0xB, v45;
	v33 =	vld.idx.msk [tilespmem:v34+s14+$0x0], $0xffff  }
0xcd: {  	v44 =	vor.u32 $0xA, v45;
	v35 =	vld.idx.msk [tilespmem:v36+s14+$0x0], $0xffff  }
0xce: {  	v8 =	vor.u32 $0x1C, v45;
	[tilespmem:$0x1FFC0] =	vst v0;
	v0 =	vld.idx.msk [tilespmem:v6+s14+$0x0], $0xffff  }
0xcf: {  	v47 =	vor.u32 $0x9, v45;
	v37 =	vld.idx.msk [tilespmem:v38+s14+$0x0], $0xffff  }
0xd0: {  	v49 =	vor.u32 $0x8, v45;
	v39 =	vld.idx.msk [tilespmem:v40+s14+$0x0], $0xffff  }
0xd1: {  	v51 =	vor.u32 $0x7, v45;
	v41 =	vld.idx.msk [tilespmem:v42+s14+$0x0], $0xffff  }
0xd2: {  	v53 =	vor.u32 $0x6, v45;
	v43 =	vld.idx.msk [tilespmem:v44+s14+$0x0], $0xffff  }
0xd3: {  	v55 =	vor.u32 $0x5, v45;
	[tilespmem:$0x1FFD0] =	vst v0;
	v0 =	vld.idx.msk [tilespmem:v8+s14+$0x0], $0xffff  }
0xd4: {  	v46 =	vld.idx.msk [tilespmem:v47+s14+$0x0], $0xffff  }
0xd5: {  	v48 =	vld.idx.msk [tilespmem:v49+s14+$0x0], $0xffff  }
0xd6: {  	v50 =	vld.idx.msk [tilespmem:v51+s14+$0x0], $0xffff  }
0xd7: {  	v56 =	vor.u32 $0x4, v45;
	v52 =	vld.idx.msk [tilespmem:v53+s14+$0x0], $0xffff  }
0xd8: {  	s17 =	simm.s32 $0xC600;
	s16 =	simm.s32 $0xC800;
	s18 =	simm.s32 $0x20;
	v57 =	vor.u32 $0x3, v45;
	v58 =	vor.u32 $0x2, v45;
	v59 =	vor.u32 $0x1, v45;
	v54 =	vld.idx.msk [tilespmem:v55+s14+$0x0], $0xffff;
	[tilespmem:$0x1FFE0] =	vst v0  }
.LBB2_2:
0xd9: {  	_ =	sdelay $0x2  }
0xda: {  	v60 =	vld.idx.msk [tilespmem:v56+s14+$0x0], $0xffff  }
0xdb: {  	v61 =	vld.idx.msk [tilespmem:v57+s14+$0x0], $0xffff  }
0xdc: {  	v62 =	vld.idx.msk [tilespmem:v58+s14+$0x0], $0xffff  }
0xdd: {  	v0 =	vld.idx.msk [tilespmem:v45+s14+$0x0], $0xffff  }
0xde: {  	v2 =	vld.idx.msk [tilespmem:v45+s28+$0x0], $0xffff  }
0xdf: {  	v45 =	vld.idx.msk [tilespmem:v45+s15+$0x0], $0xffff  }
0xe0: {  	v3 =	vld.idx.msk [tilespmem:v59+s28+$0x0], $0xffff  }
0xe1: {  	[tilespmem:$0x1FF80] =	vst v63;
	v63 =	vld.idx.msk [tilespmem:v59+s14+$0x0], $0xffff  }
0xe2: {  	v59 =	vld.idx.msk [tilespmem:v59+s15+$0x0], $0xffff  }
0xe3: {  	v5 =	vld.idx.msk [tilespmem:v58+s28+$0x0], $0xffff  }
0xe4: {  	v58 =	vld.idx.msk [tilespmem:v58+s15+$0x0], $0xffff;
	v0 =	vmul.f32 v0, v2  }
0xe5: {  	v7 =	vld.idx.msk [tilespmem:v57+s28+$0x0], $0xffff;
	v2 =	vmul.f32 v45, v2  }
0xe6: {  	v45 =	vld.idx.msk [tilespmem:v57+s15+$0x0], $0xffff;
	v0 =	vadd.f32 $0.0e+00, v0;
	v57 =	vmul.f32 v63, v3  }
0xe7: {  	v2 =	vadd.f32 $0.0e+00, v2;
	v63 =	vld.idx.msk [tilespmem:v56+s28+$0x0], $0xffff;
	v3 =	vmul.f32 v59, v3  }
0xe8: {  	v62 =	vmul.f32 v62, v5;
	v56 =	vld.idx.msk [tilespmem:v56+s15+$0x0], $0xffff;
	v0 =	vadd.f32 v57, v0  }
0xe9: {  	v59 =	vld.idx.msk [tilespmem:v55+s28+$0x0], $0xffff;
	v2 =	vadd.f32 v3, v2;
	v3 =	vmul.f32 v58, v5  }
0xea: {  	v5 =	vld.idx.msk [tilespmem:v55+s15+$0x0], $0xffff;
	v0 =	vadd.f32 v62, v0;
	v62 =	vmul.f32 v61, v7  }
0xeb: {  	v57 =	vld.idx.msk [tilespmem:v53+s28+$0x0], $0xffff;
	v2 =	vadd.f32 v3, v2;
	v3 =	vmul.f32 v45, v7  }
0xec: {  	v7 =	vld.idx.msk [tilespmem:v53+s15+$0x0], $0xffff;
	v58 =	vmul.f32 v60, v63;
	v0 =	vadd.f32 v62, v0  }
0xed: {  	v60 =	vld.idx.msk [tilespmem:v51+s28+$0x0], $0xffff;
	v2 =	vadd.f32 v3, v2;
	v3 =	vmul.f32 v56, v63  }
0xee: {  	v61 =	vld.idx.msk [tilespmem:v51+s15+$0x0], $0xffff;
	v62 =	vmul.f32 v54, v59;
	v0 =	vadd.f32 v58, v0  }
0xef: {  	v63 =	vld.idx.msk [tilespmem:v49+s28+$0x0], $0xffff;
	v2 =	vadd.f32 v3, v2;
	v3 =	vmul.f32 v5, v59  }
0xf0: {  	v55 =	vmul.f32 v52, v57;
	v5 =	vld.idx.msk [tilespmem:v49+s15+$0x0], $0xffff;
	v0 =	vadd.f32 v62, v0  }
0xf1: {  	v56 =	vld.idx.msk [tilespmem:v47+s28+$0x0], $0xffff;
	v2 =	vadd.f32 v3, v2;
	v3 =	vmul.f32 v7, v57  }
0xf2: {  	v7 =	vld.idx.msk [tilespmem:v47+s15+$0x0], $0xffff;
	v58 =	vmul.f32 v50, v60;
	v0 =	vadd.f32 v55, v0  }
0xf3: {  	v59 =	vld.idx.msk [tilespmem:v44+s28+$0x0], $0xffff;
	v2 =	vadd.f32 v3, v2;
	v3 =	vmul.f32 v61, v60  }
0xf4: {  	v60 =	vld.idx.msk [tilespmem:v44+s15+$0x0], $0xffff;
	v61 =	vmul.f32 v48, v63;
	v0 =	vadd.f32 v58, v0  }
0xf5: {  	v62 =	vld.idx.msk [tilespmem:v42+s28+$0x0], $0xffff;
	v2 =	vadd.f32 v3, v2;
	v3 =	vmul.f32 v5, v63  }
0xf6: {  	v5 =	vld.idx.msk [tilespmem:v42+s15+$0x0], $0xffff;
	v63 =	vmul.f32 v46, v56;
	v0 =	vadd.f32 v61, v0  }
0xf7: {  	v50 =	vld.idx.msk [tilespmem:v40+s28+$0x0], $0xffff;
	v2 =	vadd.f32 v3, v2;
	v3 =	vmul.f32 v7, v56  }
0xf8: {  	v51 =	vmul.f32 v43, v59;
	v7 =	vld.idx.msk [tilespmem:v40+s15+$0x0], $0xffff;
	v0 =	vadd.f32 v63, v0  }
0xf9: {  	v52 =	vld.idx.msk [tilespmem:v38+s28+$0x0], $0xffff;
	v2 =	vadd.f32 v3, v2;
	v3 =	vmul.f32 v60, v59  }
0xfa: {  	v53 =	vld.idx.msk [tilespmem:v38+s15+$0x0], $0xffff;
	v54 =	vmul.f32 v41, v62;
	v0 =	vadd.f32 v51, v0  }
0xfb: {  	v55 =	vld.idx.msk [tilespmem:v36+s28+$0x0], $0xffff;
	v2 =	vadd.f32 v3, v2;
	v3 =	vmul.f32 v5, v62  }
0xfc: {  	v56 =	vmul.f32 v39, v50;
	v5 =	vld.idx.msk [tilespmem:v36+s15+$0x0], $0xffff;
	v0 =	vadd.f32 v54, v0  }
0xfd: {  	v57 =	vld.idx.msk [tilespmem:v34+s28+$0x0], $0xffff;
	v2 =	vadd.f32 v3, v2;
	v3 =	vmul.f32 v7, v50  }
0xfe: {  	v58 =	vmul.f32 v37, v52;
	v7 =	vld.idx.msk [tilespmem:v34+s15+$0x0], $0xffff;
	v0 =	vadd.f32 v56, v0  }
0xff: {  	v59 =	vld.idx.msk [tilespmem:v32+s28+$0x0], $0xffff;
	v2 =	vadd.f32 v3, v2;
	v3 =	vmul.f32 v53, v52  }
0x100: {  	v61 =	vmul.f32 v35, v55;
	v60 =	vld.idx.msk [tilespmem:v32+s15+$0x0], $0xffff;
	v0 =	vadd.f32 v58, v0  }
0x101: {  	v62 =	vld.idx.msk [tilespmem:v30+s28+$0x0], $0xffff;
	v2 =	vadd.f32 v3, v2;
	v3 =	vmul.f32 v5, v55  }
0x102: {  	v5 =	vld.idx.msk [tilespmem:v30+s15+$0x0], $0xffff;
	v30 =	vmul.f32 v33, v57;
	v0 =	vadd.f32 v61, v0  }
0x103: {  	v63 =	vld.idx.msk [tilespmem:v28+s28+$0x0], $0xffff;
	v2 =	vadd.f32 v3, v2;
	v3 =	vmul.f32 v7, v57  }
0x104: {  	v7 =	vld.idx.msk [tilespmem:v28+s15+$0x0], $0xffff;
	v28 =	vmul.f32 v31, v59;
	v0 =	vadd.f32 v30, v0  }
0x105: {  	v30 =	vld.idx.msk [tilespmem:v26+s28+$0x0], $0xffff;
	v2 =	vadd.f32 v3, v2;
	v3 =	vmul.f32 v60, v59  }
0x106: {  	v26 =	vld.idx.msk [tilespmem:v26+s15+$0x0], $0xffff;
	v0 =	vadd.f32 v28, v0;
	v28 =	vmul.f32 v29, v62  }
0x107: {  	v29 =	vld.idx.msk [tilespmem:v24+s28+$0x0], $0xffff;
	v2 =	vadd.f32 v3, v2;
	v3 =	vmul.f32 v5, v62  }
0x108: {  	v5 =	vld.idx.msk [tilespmem:v24+s15+$0x0], $0xffff;
	v24 =	vmul.f32 v27, v63;
	v0 =	vadd.f32 v28, v0  }
0x109: {  	v27 =	vld.idx.msk [tilespmem:v22+s28+$0x0], $0xffff;
	v2 =	vadd.f32 v3, v2;
	v3 =	vmul.f32 v7, v63  }
0x10a: {  	v7 =	vld.idx.msk [tilespmem:v22+s15+$0x0], $0xffff;
	v22 =	vmul.f32 v25, v30;
	v0 =	vadd.f32 v24, v0  }
0x10b: {  	v24 =	vld.idx.msk [tilespmem:v20+s28+$0x0], $0xffff;
	v2 =	vadd.f32 v3, v2;
	v3 =	vmul.f32 v26, v30  }
0x10c: {  	v20 =	vld.idx.msk [tilespmem:v20+s15+$0x0], $0xffff;
	v0 =	vadd.f32 v22, v0;
	v22 =	vmul.f32 v23, v29  }
0x10d: {  	v23 =	vld.idx.msk [tilespmem:v18+s28+$0x0], $0xffff;
	v2 =	vadd.f32 v3, v2;
	v3 =	vmul.f32 v5, v29  }
0x10e: {  	v5 =	vld.idx.msk [tilespmem:v18+s15+$0x0], $0xffff;
	v18 =	vmul.f32 v21, v27;
	v0 =	vadd.f32 v22, v0  }
0x10f: {  	v21 =	vld.idx.msk [tilespmem:v16+s28+$0x0], $0xffff;
	v2 =	vadd.f32 v3, v2;
	v3 =	vmul.f32 v7, v27  }
0x110: {  	v7 =	vld.idx.msk [tilespmem:v16+s15+$0x0], $0xffff;
	v16 =	vmul.f32 v19, v24;
	v0 =	vadd.f32 v18, v0  }
0x111: {  	v18 =	vld.idx.msk [tilespmem:v14+s28+$0x0], $0xffff;
	v2 =	vadd.f32 v3, v2;
	v3 =	vmul.f32 v20, v24  }
0x112: {  	v14 =	vld.idx.msk [tilespmem:v14+s15+$0x0], $0xffff;
	v0 =	vadd.f32 v16, v0;
	v16 =	vmul.f32 v17, v23  }
0x113: {  	v17 =	vld.idx.msk [tilespmem:v12+s28+$0x0], $0xffff;
	v2 =	vadd.f32 v3, v2;
	v3 =	vmul.f32 v5, v23  }
0x114: {  	v5 =	vld.idx.msk [tilespmem:v12+s15+$0x0], $0xffff;
	v12 =	vmul.f32 v15, v21;
	v0 =	vadd.f32 v16, v0  }
0x115: {  	v15 =	vld.idx.msk [tilespmem:v10+s28+$0x0], $0xffff;
	v2 =	vadd.f32 v3, v2;
	v3 =	vmul.f32 v7, v21  }
0x116: {  	v7 =	vld.idx.msk [tilespmem:v10+s15+$0x0], $0xffff;
	v10 =	vmul.f32 v13, v18;
	v0 =	vadd.f32 v12, v0  }
0x117: {  	v2 =	vadd.f32 v3, v2;
	v3 =	vmul.f32 v14, v18  }
0x118: {  	v0 =	vadd.f32 v10, v0;
	v10 =	vmul.f32 v11, v17  }
0x119: {  	v11 =	vld.idx.msk [tilespmem:v6+s28+$0x0], $0xffff;
	v2 =	vadd.f32 v3, v2  }
0x11a: {  	v3 =	vmul.f32 v5, v17;
	v5 =	vld.idx.msk [tilespmem:v6+s15+$0x0], $0xffff;
	v6 =	vmul.f32 v9, v15;
	v0 =	vadd.f32 v10, v0  }
0x11b: {  	v12 =	vld.idx.msk [tilespmem:v8+s28+$0x0], $0xffff  }
0x11c: {  	v0 =	vadd.f32 v6, v0;
	v6 =	vld [tilespmem:$0x1FFE0];
	_ =	sdelay $0x4  }
0x11d: {  	v6 =	vmul.f32 v6, v12;
	_ =	sdelay $0x1  }
0x11e: {  	v0 =	vadd.f32 v6, v0;
	v6 =	vld [tilespmem:$0x1FFD0];
	_ =	sdelay $0x4  }
0x11f: {  	v8 =	vld.idx.msk [tilespmem:v8+s15+$0x0], $0xffff;
	v6 =	vmul.f32 v6, v11  }
0x120: {  	v9 =	vld.idx.msk [tilespmem:v4+s28+$0x0], $0xffff  }
0x121: {  	v0 =	vadd.f32 v6, v0;
	v6 =	vld [tilespmem:$0x1FFC0]  }
0x122: {  	v2 =	vadd.f32 v3, v2;
	v3 =	vmul.f32 v7, v15  }
0x123: {  	v4 =	vld.idx.msk [tilespmem:v4+s15+$0x0], $0xffff  }
0x124: {  	v7 =	vld.idx.msk [tilespmem:v1+s28+$0x0], $0xffff;
	v2 =	vadd.f32 v3, v2;
	v3 =	vmul.f32 v8, v12  }
0x125: {  	v1 =	vld.idx.msk [tilespmem:v1+s15+$0x0], $0xffff  }
0x126: {  	v2 =	vadd.f32 v3, v2;
	v3 =	vmul.f32 v5, v11;
	v6 =	vmul.f32 v6, v9;
	_ =	sdelay $0x1  }
0x127: {  	s1 =	sadd.s32 $0x10, s1;
	v2 =	vadd.f32 v3, v2;
	v3 =	vmul.f32 v4, v9;
	v0 =	vadd.f32 v6, v0;
	v6 =	vld [tilespmem:$0x1FF80]  }
0x128: {  	v5 =	vld [tilespmem:s1+$0x0]  }
0x129: {  	v2 =	vadd.f32 v3, v2;
	v3 =	vmul.f32 v1, v7;
	v1 =	vld [tilespmem:$0x1FFF0];
	_ =	sdelay $0x2  }
0x12a: {  	v4 =	vmov s18;
	v6 =	vmul.f32 v6, v7  }
0x12b: {  	v4 =	vshll.u32 v4, $0x5  }
0x12c: {  	v5 =	vmul.f32 $1.999999960e-02, v5;
	v45 =	vor.u32 v1, v4;
	v0 =	vadd.f32 v6, v0  }
0x12d: {  	v2 =	vadd.f32 v3, v2;
	v1 =	vor.u32 $0x1F, v45  }
0x12e: {  	v4 =	vor.u32 $0x1E, v45;
	v0 =	vadd.f32 v5, v0  }
0x12f: {  	s17 =	sadd.s32 $0x10, s17;
	v2 =	vadd.f32 v5, v2;
	v10 =	vor.u32 $0x1B, v45  }
0x130: {  	s16 =	sadd.s32 $0x10, s16;
	v12 =	vor.u32 $0x1A, v45;
	[tilespmem:s17+$0x0] =	vst v0  }
0x131: {  	v14 =	vor.u32 $0x19, v45;
	[tilespmem:s16+$0x0] =	vst v2  }
0x132: {  	v16 =	vor.u32 $0x18, v45;
	v63 =	vld.idx.msk [tilespmem:v1+s14+$0x0], $0xffff  }
0x133: {  	v18 =	vor.u32 $0x17, v45;
	v0 =	vld.idx.msk [tilespmem:v4+s14+$0x0], $0xffff  }
0x134: {  	v20 =	vor.u32 $0x16, v45;
	v9 =	vld.idx.msk [tilespmem:v10+s14+$0x0], $0xffff  }
0x135: {  	v22 =	vor.u32 $0x15, v45;
	v11 =	vld.idx.msk [tilespmem:v12+s14+$0x0], $0xffff  }
0x136: {  	v24 =	vor.u32 $0x14, v45;
	v13 =	vld.idx.msk [tilespmem:v14+s14+$0x0], $0xffff  }
0x137: {  	v26 =	vor.u32 $0x13, v45;
	v15 =	vld.idx.msk [tilespmem:v16+s14+$0x0], $0xffff  }
0x138: {  	v28 =	vor.u32 $0x12, v45;
	v17 =	vld.idx.msk [tilespmem:v18+s14+$0x0], $0xffff  }
0x139: {  	v30 =	vor.u32 $0x11, v45;
	v19 =	vld.idx.msk [tilespmem:v20+s14+$0x0], $0xffff  }
0x13a: {  	v32 =	vor.u32 $0x10, v45;
	v21 =	vld.idx.msk [tilespmem:v22+s14+$0x0], $0xffff  }
0x13b: {  	v34 =	vor.u32 $0xF, v45;
	v23 =	vld.idx.msk [tilespmem:v24+s14+$0x0], $0xffff  }
0x13c: {  	v36 =	vor.u32 $0xE, v45;
	v25 =	vld.idx.msk [tilespmem:v26+s14+$0x0], $0xffff  }
0x13d: {  	v6 =	vor.u32 $0x1D, v45;
	v27 =	vld.idx.msk [tilespmem:v28+s14+$0x0], $0xffff  }
0x13e: {  	v38 =	vor.u32 $0xD, v45;
	v29 =	vld.idx.msk [tilespmem:v30+s14+$0x0], $0xffff  }
0x13f: {  	v40 =	vor.u32 $0xC, v45;
	v31 =	vld.idx.msk [tilespmem:v32+s14+$0x0], $0xffff  }
0x140: {  	v42 =	vor.u32 $0xB, v45;
	v33 =	vld.idx.msk [tilespmem:v34+s14+$0x0], $0xffff  }
0x141: {  	v44 =	vor.u32 $0xA, v45;
	v35 =	vld.idx.msk [tilespmem:v36+s14+$0x0], $0xffff  }
0x142: {  	v8 =	vor.u32 $0x1C, v45;
	[tilespmem:$0x1FFC0] =	vst v0;
	v0 =	vld.idx.msk [tilespmem:v6+s14+$0x0], $0xffff  }
0x143: {  	v47 =	vor.u32 $0x9, v45;
	v37 =	vld.idx.msk [tilespmem:v38+s14+$0x0], $0xffff  }
0x144: {  	v49 =	vor.u32 $0x8, v45;
	v39 =	vld.idx.msk [tilespmem:v40+s14+$0x0], $0xffff  }
0x145: {  	v51 =	vor.u32 $0x7, v45;
	v41 =	vld.idx.msk [tilespmem:v42+s14+$0x0], $0xffff  }
0x146: {  	v53 =	vor.u32 $0x6, v45;
	v43 =	vld.idx.msk [tilespmem:v44+s14+$0x0], $0xffff  }
0x147: {  	p0 =	sne.s32 s18, $0x1F0;
	v55 =	vor.u32 $0x5, v45;
	[tilespmem:$0x1FFD0] =	vst v0;
	v0 =	vld.idx.msk [tilespmem:v8+s14+$0x0], $0xffff  }
.Ltmp0:
0x148: {  	v46 =	vld.idx.msk [tilespmem:v47+s14+$0x0], $0xffff;
	(pc) =	sbr.rel @p0 .LBB2_2-.Ltmp0, $4  }
0x149: {  	v48 =	vld.idx.msk [tilespmem:v49+s14+$0x0], $0xffff  }
0x14a: {  	v50 =	vld.idx.msk [tilespmem:v51+s14+$0x0], $0xffff  }
0x14b: {  	v56 =	vor.u32 $0x4, v45;
	v52 =	vld.idx.msk [tilespmem:v53+s14+$0x0], $0xffff  }
0x14c: {  	s18 =	sadd.s32 $0x10, s18;
	v57 =	vor.u32 $0x3, v45;
	v58 =	vor.u32 $0x2, v45;
	v59 =	vor.u32 $0x1, v45;
	v54 =	vld.idx.msk [tilespmem:v55+s14+$0x0], $0xffff;
	[tilespmem:$0x1FFE0] =	vst v0  }
0x14d: {  	_ =	sdelay $0x3  }
0x14e: {  	v0 =	vld.idx.msk [tilespmem:v58+s14+$0x0], $0xffff  }
0x14f: {  	v2 =	vld.idx.msk [tilespmem:v59+s14+$0x0], $0xffff  }
0x150: {  	v3 =	vld.idx.msk [tilespmem:v45+s14+$0x0], $0xffff  }
0x151: {  	v5 =	vld.idx.msk [tilespmem:v45+s28+$0x0], $0xffff  }
0x152: {  	v7 =	vld.idx.msk [tilespmem:v45+s15+$0x0], $0xffff  }
0x153: {  	v45 =	vld.idx.msk [tilespmem:v59+s28+$0x0], $0xffff  }
0x154: {  	v59 =	vld.idx.msk [tilespmem:v59+s15+$0x0], $0xffff  }
0x155: {  	v60 =	vld.idx.msk [tilespmem:v58+s28+$0x0], $0xffff  }
0x156: {  	v58 =	vld.idx.msk [tilespmem:v58+s15+$0x0], $0xffff  }
0x157: {  	v61 =	vld.idx.msk [tilespmem:v57+s14+$0x0], $0xffff  }
0x158: {  	v62 =	vld.idx.msk [tilespmem:v57+s28+$0x0], $0xffff  }
0x159: {  	v3 =	vmul.f32 v3, v5;
	v5 =	vmul.f32 v7, v5;
	v7 =	vld.idx.msk [tilespmem:v57+s15+$0x0], $0xffff  }
0x15a: {  	v57 =	vld.idx.msk [tilespmem:v56+s14+$0x0], $0xffff  }
0x15b: {  	v2 =	vmul.f32 v2, v45;
	v45 =	vmul.f32 v59, v45;
	v59 =	vld.idx.msk [tilespmem:v56+s28+$0x0], $0xffff;
	v3 =	vadd.f32 $0.0e+00, v3  }
0x15c: {  	v0 =	vmul.f32 v0, v60;
	v60 =	vmul.f32 v58, v60;
	v58 =	vld.idx.msk [tilespmem:v53+s15+$0x0], $0xffff  }
0x15d: {  	v5 =	vadd.f32 $0.0e+00, v5;
	v2 =	vadd.f32 v2, v3;
	v3 =	vld.idx.msk [tilespmem:v56+s15+$0x0], $0xffff  }
0x15e: {  	v56 =	vld.idx.msk [tilespmem:v55+s28+$0x0], $0xffff  }
0x15f: {  	v5 =	vadd.f32 v45, v5;
	v45 =	vld.idx.msk [tilespmem:v53+s28+$0x0], $0xffff  }
0x160: {  	v53 =	vld.idx.msk [tilespmem:v36+s28+$0x0], $0xffff  }
0x161: {  	v61 =	vmul.f32 v61, v62;
	v0 =	vadd.f32 v0, v2;
	v2 =	vld.idx.msk [tilespmem:v55+s15+$0x0], $0xffff  }
0x162: {  	v7 =	vmul.f32 v7, v62;
	v62 =	vld.idx.msk [tilespmem:v51+s15+$0x0], $0xffff;
	v5 =	vadd.f32 v60, v5  }
0x163: {  	v60 =	vmul.f32 v57, v59;
	v57 =	vld.idx.msk [tilespmem:v49+s15+$0x0], $0xffff;
	v0 =	vadd.f32 v61, v0  }
0x164: {  	v5 =	vadd.f32 v7, v5;
	v61 =	vld.idx.msk [tilespmem:v51+s28+$0x0], $0xffff;
	v3 =	vmul.f32 v3, v59  }
0x165: {  	v55 =	vld.idx.msk [tilespmem:v34+s28+$0x0], $0xffff;
	v54 =	vmul.f32 v54, v56;
	v0 =	vadd.f32 v60, v0  }
0x166: {  	v3 =	vadd.f32 v3, v5;
	v2 =	vmul.f32 v2, v56;
	v56 =	vld.idx.msk [tilespmem:v49+s28+$0x0], $0xffff  }
0x167: {  	v51 =	vld.idx.msk [tilespmem:v38+s28+$0x0], $0xffff;
	v52 =	vmul.f32 v52, v45;
	v0 =	vadd.f32 v54, v0  }
0x168: {  	v2 =	vadd.f32 v2, v3;
	v3 =	vmul.f32 v58, v45;
	v58 =	vld.idx.msk [tilespmem:v47+s28+$0x0], $0xffff  }
0x169: {  	v59 =	vld.idx.msk [tilespmem:v47+s15+$0x0], $0xffff;
	v50 =	vmul.f32 v50, v61;
	v0 =	vadd.f32 v52, v0  }
0x16a: {  	v60 =	vld.idx.msk [tilespmem:v44+s28+$0x0], $0xffff;
	v2 =	vadd.f32 v3, v2;
	v3 =	vmul.f32 v62, v61  }
0x16b: {  	v61 =	vld.idx.msk [tilespmem:v44+s15+$0x0], $0xffff;
	v0 =	vadd.f32 v50, v0;
	v48 =	vmul.f32 v48, v56  }
0x16c: {  	v62 =	vld.idx.msk [tilespmem:v42+s28+$0x0], $0xffff;
	v2 =	vadd.f32 v3, v2;
	v3 =	vmul.f32 v57, v56  }
0x16d: {  	v0 =	vadd.f32 v48, v0;
	v48 =	vld.idx.msk [tilespmem:v42+s15+$0x0], $0xffff;
	v46 =	vmul.f32 v46, v58  }
0x16e: {  	v49 =	vld.idx.msk [tilespmem:v40+s28+$0x0], $0xffff;
	v2 =	vadd.f32 v3, v2;
	v3 =	vmul.f32 v59, v58  }
0x16f: {  	v43 =	vmul.f32 v43, v60;
	v50 =	vld.idx.msk [tilespmem:v40+s15+$0x0], $0xffff;
	v0 =	vadd.f32 v46, v0  }
0x170: {  	v54 =	vld.idx.msk [tilespmem:v36+s15+$0x0], $0xffff;
	v2 =	vadd.f32 v3, v2;
	v3 =	vmul.f32 v61, v60  }
0x171: {  	v52 =	vld.idx.msk [tilespmem:v38+s15+$0x0], $0xffff;
	v41 =	vmul.f32 v41, v62;
	v0 =	vadd.f32 v43, v0  }
0x172: {  	v36 =	vld.idx.msk [tilespmem:v24+s28+$0x0], $0xffff;
	v2 =	vadd.f32 v3, v2;
	v3 =	vmul.f32 v48, v62  }
0x173: {  	v45 =	vld.idx.msk [tilespmem:v16+s15+$0x0], $0xffff;
	v39 =	vmul.f32 v39, v49;
	v0 =	vadd.f32 v41, v0  }
0x174: {  	v47 =	vld.idx.msk [tilespmem:v14+s15+$0x0], $0xffff;
	v2 =	vadd.f32 v3, v2;
	v3 =	vmul.f32 v50, v49  }
0x175: {  	v37 =	vmul.f32 v37, v51;
	v56 =	vld.idx.msk [tilespmem:v34+s15+$0x0], $0xffff;
	v0 =	vadd.f32 v39, v0  }
0x176: {  	v57 =	vld.idx.msk [tilespmem:v32+s28+$0x0], $0xffff;
	v2 =	vadd.f32 v3, v2;
	v3 =	vmul.f32 v52, v51  }
0x177: {  	v35 =	vmul.f32 v35, v53;
	v58 =	vld.idx.msk [tilespmem:v32+s15+$0x0], $0xffff;
	v0 =	vadd.f32 v37, v0  }
0x178: {  	v59 =	vld.idx.msk [tilespmem:v30+s28+$0x0], $0xffff;
	v2 =	vadd.f32 v3, v2;
	v3 =	vmul.f32 v54, v53  }
0x179: {  	v33 =	vmul.f32 v33, v55;
	v60 =	vld.idx.msk [tilespmem:v30+s15+$0x0], $0xffff;
	v0 =	vadd.f32 v35, v0  }
0x17a: {  	v61 =	vld.idx.msk [tilespmem:v28+s28+$0x0], $0xffff;
	v2 =	vadd.f32 v3, v2;
	v3 =	vmul.f32 v56, v55  }
0x17b: {  	v31 =	vmul.f32 v31, v57;
	v62 =	vld.idx.msk [tilespmem:v28+s15+$0x0], $0xffff;
	v0 =	vadd.f32 v33, v0  }
0x17c: {  	v33 =	vld.idx.msk [tilespmem:v26+s28+$0x0], $0xffff;
	v2 =	vadd.f32 v3, v2;
	v3 =	vmul.f32 v58, v57  }
0x17d: {  	v29 =	vmul.f32 v29, v59;
	v35 =	vld.idx.msk [tilespmem:v26+s15+$0x0], $0xffff;
	v0 =	vadd.f32 v31, v0  }
0x17e: {  	v38 =	vld.idx.msk [tilespmem:v22+s28+$0x0], $0xffff;
	v2 =	vadd.f32 v3, v2;
	v3 =	vmul.f32 v60, v59  }
0x17f: {  	v27 =	vmul.f32 v27, v61;
	v37 =	vld.idx.msk [tilespmem:v24+s15+$0x0], $0xffff;
	v0 =	vadd.f32 v29, v0  }
0x180: {  	v44 =	vld.idx.msk [tilespmem:v16+s28+$0x0], $0xffff;
	v2 =	vadd.f32 v3, v2;
	v3 =	vmul.f32 v62, v61  }
0x181: {  	v39 =	vld.idx.msk [tilespmem:v22+s15+$0x0], $0xffff;
	v25 =	vmul.f32 v25, v33;
	v0 =	vadd.f32 v27, v0  }
0x182: {  	v40 =	vld.idx.msk [tilespmem:v20+s28+$0x0], $0xffff;
	v2 =	vadd.f32 v3, v2;
	v3 =	vmul.f32 v35, v33  }
0x183: {  	v23 =	vmul.f32 v23, v36;
	v41 =	vld.idx.msk [tilespmem:v20+s15+$0x0], $0xffff;
	v0 =	vadd.f32 v25, v0  }
0x184: {  	v42 =	vld.idx.msk [tilespmem:v18+s28+$0x0], $0xffff;
	v2 =	vadd.f32 v3, v2;
	v3 =	vmul.f32 v37, v36  }
0x185: {  	v21 =	vmul.f32 v21, v38;
	v43 =	vld.idx.msk [tilespmem:v18+s15+$0x0], $0xffff;
	v0 =	vadd.f32 v23, v0  }
0x186: {  	v46 =	vld.idx.msk [tilespmem:v14+s28+$0x0], $0xffff;
	v2 =	vadd.f32 v3, v2;
	v3 =	vmul.f32 v39, v38  }
0x187: {  	v19 =	vmul.f32 v19, v40;
	v48 =	vld.idx.msk [tilespmem:v12+s28+$0x0], $0xffff;
	v0 =	vadd.f32 v21, v0  }
0x188: {  	v49 =	vld.idx.msk [tilespmem:v12+s15+$0x0], $0xffff;
	v2 =	vadd.f32 v3, v2;
	v3 =	vmul.f32 v41, v40  }
0x189: {  	v17 =	vmul.f32 v17, v42;
	v50 =	vld.idx.msk [tilespmem:v10+s28+$0x0], $0xffff;
	v0 =	vadd.f32 v19, v0  }
0x18a: {  	v51 =	vld.idx.msk [tilespmem:v10+s15+$0x0], $0xffff;
	v2 =	vadd.f32 v3, v2;
	v3 =	vmul.f32 v43, v42  }
0x18b: {  	v15 =	vmul.f32 v15, v44;
	v52 =	vld.idx.msk [tilespmem:v8+s28+$0x0], $0xffff;
	v0 =	vadd.f32 v17, v0  }
0x18c: {  	v53 =	vld.idx.msk [tilespmem:v8+s15+$0x0], $0xffff;
	v2 =	vadd.f32 v3, v2;
	v3 =	vmul.f32 v45, v44  }
0x18d: {  	v13 =	vmul.f32 v13, v46;
	v54 =	vld.idx.msk [tilespmem:v6+s28+$0x0], $0xffff;
	v0 =	vadd.f32 v15, v0  }
0x18e: {  	v58 =	vld [tilespmem:$0x1FFE0];
	v2 =	vadd.f32 v3, v2;
	v3 =	vmul.f32 v47, v46  }
0x18f: {  	v11 =	vmul.f32 v11, v48;
	v55 =	vld.idx.msk [tilespmem:v6+s15+$0x0], $0xffff;
	v0 =	vadd.f32 v13, v0  }
0x190: {  	v60 =	vld [tilespmem:$0x1FFD0];
	v2 =	vadd.f32 v3, v2;
	v3 =	vmul.f32 v49, v48  }
0x191: {  	v9 =	vmul.f32 v9, v50;
	v56 =	vld.idx.msk [tilespmem:v4+s28+$0x0], $0xffff;
	v0 =	vadd.f32 v11, v0  }
0x192: {  	v62 =	vld [tilespmem:$0x1FFC0];
	v2 =	vadd.f32 v3, v2;
	v3 =	vmul.f32 v51, v50  }
0x193: {  	v57 =	vld.idx.msk [tilespmem:v4+s15+$0x0], $0xffff;
	v0 =	vadd.f32 v9, v0;
	v9 =	vmul.f32 v58, v52  }
0x194: {  	v59 =	vld.idx.msk [tilespmem:v1+s28+$0x0], $0xffff;
	v2 =	vadd.f32 v3, v2;
	v3 =	vmul.f32 v53, v52  }
0x195: {  	s1 =	sadd.s32 $0x10, s1;
	v1 =	vld.idx.msk [tilespmem:v1+s15+$0x0], $0xffff;
	v8 =	vmul.f32 v60, v54;
	v0 =	vadd.f32 v9, v0  }
0x196: {  	v61 =	vld [tilespmem:s1+$0x0];
	v2 =	vadd.f32 v3, v2;
	v3 =	vmul.f32 v55, v54  }
0x197: {  	v6 =	vmul.f32 v62, v56;
	v0 =	vadd.f32 v8, v0  }
0x198: {  	v2 =	vadd.f32 v3, v2;
	v3 =	vmul.f32 v57, v56  }
0x199: {  	v63 =	vmul.f32 v63, v59;
	v0 =	vadd.f32 v6, v0  }
0x19a: {  	v1 =	vmul.f32 v1, v59;
	v2 =	vadd.f32 v3, v2  }
0x19b: {  	v3 =	vmul.f32 $1.999999960e-02, v61;
	v0 =	vadd.f32 v63, v0  }
0x19c: {  	v1 =	vadd.f32 v1, v2  }
0x19d: {  	v0 =	vadd.f32 v3, v0  }
0x19e: {  	s17 =	sadd.s32 $0x10, s17;
	v1 =	vadd.f32 v3, v1  }
0x19f: {  	s18 =	sadd.s32 $0x10, s16;
	[tilespmem:s17+$0x0] =	vst v0  }
0x1a0: {  	[tilespmem:s18+$0x0] =	vst v1  }
0x1a1: {  	[hbm4b:s8+s2] =	stream.linear.scatter [tilespmem:s30], [sflag:$0x2], $0x200, $0x38;
	[tilespmem:$0xCA00] =	vst v63  }
0x1a2: {  	s0 =	sadd.s32 $0x1, s0;
	_ =	swait.ge [sflag:s11], $0x200  }
0x1a3: {  	p0 =	sne.s32 s0, s10;
	[sflag:s11] =	ssyncset.done $0x0  }
.Ltmp1:
0x1a4: {  	[sflag:s11] =	ssyncadd.s32 $0xFFFFFE00;
	(pc) =	sbr.rel @p0 .LBB2_1-.Ltmp1, $4  }
0x1a5: {  	[hbm4b:s9+s2] =	stream.linear.scatter [tilespmem:s31], [sflag:$0x2], $0x200, $0x38;
	[tilespmem:$0xCA00] =	vst v63  }
0x1a6: {  	_ =	swait.ge [sflag:s11], $0x200  }
0x1a7: {  	[sflag:s11] =	ssyncset.done $0x0  }
0x1a8: {  	v0 =	vld [tilespmem:$0x1FFF0];
	[sflag:s11] =	ssyncadd.s32 $0xFFFFFE00  }
0x1a9: {  	_ =	sfence.sel $0x180000  }
0x1aa: {  	[bflag:$0x0] =	sbarrier.arrive $0xFFFF  }
0x1ab: {  	_ =	strace $0x9000004A  }
0x1ac: {  	s0 =	stileid.u32;
	[bflag:$0x2] =	sbarrier.arrive $0xFFFF  }
0x1ad: {  	p0 =	sne.s32 s0, $0x0;
	s0 =	rddreg [dreg:$0x5]  }
0x1ae: {  	s0 =	sadd.s32 @!p0 $0x100000, s0  }
0x1af: {  	[sflag:s0] =	ssyncadd.tile.s32 @!p0 $0x1;
	_ =	shalt  }
.Lfunc_end2:
_tile_overlayer_lowered:
.L_overlay_start_2:
0x1b0: {  	(tag) =	ssettag $0x2  }
0x1b1: {  	s0 =	rddreg [dreg:$0x0];
	s2 =	stileid.u32  }
0x1b2: {  	s1 =	rddreg [dreg:$0x1];
	p0 =	sne.s32 s2, $0x0  }
0x1b3: {  	s3 =	rddreg [dreg:$0x2];
	[bflag:$0x3] =	sbarrier.arrive $0xFFFF;
	s2 =	simm.s32 @!p0 $0x1C02  }
0x1b4: {  	[timem:s3], [sflag:s2] =	dma.local @!p0 [hbm:s0], s1  }
0x1b5: {  	s0 =	simm.s32 @!p0 $0x2  }
0x1b6: {  	_ =	swait.ge @!p0 [sflag:s0], s1  }
0x1b7: {  	s1 =	ssub.s32 @!p0 $0x0, s1;
	[sflag:s0] =	ssyncset.done @!p0 $0x0  }
0x1b8: {  	[sflag:s0] =	ssyncadd.s32 @!p0 s1  }
0x1b9: {  	[bflag:$0x3] =	sbarrier.arrive $0xFFFF  }
0x1ba: {  	_ =	shalt  }

</sc_bundles>
